<compile_context>
chip_gen: v7x
topology: tpu7x:2x2x1
jax: 0.10.2.dev20260603
libtpu: 0.0.44.dev20260713+nightly
codegen_flags: <defaults>
</compile_context>

<pallas_src>
import functools

import jax
import jax.numpy as jnp
from jax import lax
from jax.experimental import pallas as pl
from jax.experimental.pallas import tpu as pltpu
from jax.experimental.pallas import tpu_sc as plsc

_N2 = 10000
_N3 = 2048
_D = 128
_DO = 47
_W1 = 160
_W2 = 64
_NC, _NS = 2, 16
_NW = _NC * _NS
_CH = 128
_NB = 4
_C1 = 40
_C2 = 8
_ACC1_ROWS = _N3 + 128


def _mesh():
    return plsc.VectorSubcoreMesh(core_axis_name="c", subcore_axis_name="s",
                                  num_cores=_NC, num_subcores=_NS)



def _a_body(x_ref, w_ref, c_ref, y_ref):
    y_ref[...] = (jnp.dot(x_ref[...], w_ref[...],
                          preferred_element_type=jnp.float32)
                  + c_ref[...]).astype(jnp.bfloat16)


def _run_a(x10k, w1l_ext, cnt_row):
    blk = 1000
    grid = _N2 // blk
    return pl.pallas_call(
        _a_body,
        grid=(grid,),
        in_specs=[
            pl.BlockSpec((blk, _D), lambda i: (i, 0)),
            pl.BlockSpec((_D, _W1), lambda i: (0, 0)),
            pl.BlockSpec((1, _W1), lambda i: (0, 0)),
        ],
        out_specs=pl.BlockSpec((blk, _W1), lambda i: (i, 0)),
        out_shape=jax.ShapeDtypeStruct((_N2, _W1), jnp.bfloat16),
    )(x10k, w1l_ext, cnt_row)



def _sc_body(nchunks, acc_rows, width, tab_hbm, src_hbm, dst_hbm, zeros_hbm,
             out_hbm, src_v, dst_v, rows_v, acc_sh, gsem, ssem):
    cid = lax.axis_index("c")
    sid = lax.axis_index("s")
    wid = sid * _NC + cid
    zrows = acc_rows // _NS
    orows = _N3 // _NS
    pltpu.sync_copy(zeros_hbm, acc_sh.at[pl.ds(sid * zrows, zrows)])
    pltpu.sync_copy(src_hbm.at[wid], src_v)
    pltpu.sync_copy(dst_hbm.at[wid], dst_v)
    plsc.subcore_barrier()

    @pl.loop(0, nchunks, step=_NB)
    def _group(g):
        gds = [pltpu.async_copy(tab_hbm.at[src_v.at[g + b]], rows_v.at[b],
                                gsem.at[b]) for b in range(_NB)]
        sds = []
        for b in range(_NB):
            gds[b].wait()
            sds.append(pltpu.async_copy(rows_v.at[b], acc_sh.at[dst_v.at[g + b]],
                                        ssem.at[b], add=True))
        for d in sds:
            d.wait()

    plsc.subcore_barrier()
    pltpu.sync_copy(acc_sh.at[pl.ds(sid * orows, orows)],
                    out_hbm.at[cid, pl.ds(sid * orows, orows)])


def _run_sc(tab, src, dst, zeros, nchunks, acc_rows, width):
    kern = functools.partial(
        pl.kernel,
        out_type=jax.ShapeDtypeStruct((_NC, _N3, width), jnp.bfloat16),
        mesh=_mesh(),
        scratch_types=[
            pltpu.VMEM((nchunks, _CH), jnp.int32),
            pltpu.VMEM((nchunks, _CH), jnp.int32),
            pltpu.VMEM((_NB, _CH, width), jnp.bfloat16),
            pltpu.VMEM_SHARED((acc_rows, width), jnp.bfloat16),
            pltpu.SemaphoreType.DMA((_NB,)),
            pltpu.SemaphoreType.DMA((_NB,)),
        ],
        compiler_params=pltpu.CompilerParams(use_tc_tiling_on_sc=False),
    )(functools.partial(_sc_body, nchunks, acc_rows, width))
    return kern(tab, src, dst, zeros)



_CAP = 163840 // _NW
_PK = 16384
_ST = 8


def _sc1_body(tab_hbm, pack_hbm, zsrc_hbm, d2d_hbm, zeros_hbm,
              out_hbm, pinp, csrc2d, cdst2d, rows_v, acc_sh):
    cid = lax.axis_index("c")
    sid = lax.axis_index("s")
    wid = sid * _NC + cid
    zrows = _ACC1_ROWS // _NS
    orows = _N3 // _NS
    pltpu.sync_copy(zeros_hbm, acc_sh.at[pl.ds(sid * zrows, zrows)])
    pltpu.sync_copy(pack_hbm.at[wid], pinp)
    pltpu.sync_copy(zsrc_hbm, csrc2d)
    pltpu.sync_copy(d2d_hbm, cdst2d)

    def _p1(i, off):
        p = pinp[pl.ds(i * 16, 16)]
        m = p < (_N3 * _PK)
        mi = m.astype(jnp.int32)
        cs = plsc.cumsum(mi)
        pos = off + cs - 1
        rowv = lax.shift_right_logical(pos, 7)
        colv = jnp.bitwise_and(pos, _CH - 1)
        plsc.store_scatter(csrc2d, [rowv, colv], jnp.bitwise_and(p, _PK - 1),
                           mask=m)
        plsc.store_scatter(cdst2d, [rowv, colv], lax.shift_right_logical(p, 14),
                           mask=m)
        return off + jnp.sum(mi)

    off = lax.fori_loop(0, _CAP // 16, _p1, jnp.int32(0))
    plsc.subcore_barrier()

    @pl.loop(0, (off + _CH - 1) // _CH)
    def _p3(c):
        pltpu.sync_copy(tab_hbm.at[csrc2d.at[c]], rows_v.at[0])
        pltpu.sync_copy(rows_v.at[0], acc_sh.at[cdst2d.at[c]], add=True)
    plsc.subcore_barrier()
    pltpu.sync_copy(acc_sh.at[pl.ds(sid * orows, orows)],
                    out_hbm.at[cid, pl.ds(sid * orows, orows)])


def _run_sc1(tab, packed, zsrc, d2d, zeros):
    kern = functools.partial(
        pl.kernel,
        out_type=jax.ShapeDtypeStruct((_NC, _N3, _W1), jnp.bfloat16),
        mesh=_mesh(),
        scratch_types=[
            pltpu.VMEM((_CAP,), jnp.int32),
            pltpu.VMEM((_CAP // _CH, _CH), jnp.int32),
            pltpu.VMEM((_CAP // _CH, _CH), jnp.int32),
            pltpu.VMEM((_NB, _CH, _W1), jnp.bfloat16),
            pltpu.VMEM_SHARED((_ACC1_ROWS, _W1), jnp.bfloat16),
        ],
        compiler_params=pltpu.CompilerParams(use_tc_tiling_on_sc=False,
                                             needs_layout_passes=False),
    )(_sc1_body)
    return kern(tab, packed, zsrc, d2d, zeros)



def _c_body(p_ref, x2_ref, w1r_ref, b1_ref, w2le_ref, c2_ref, w2re_ref, b2_ref,
            y2_ref, z2_ref):
    s = (p_ref[0].astype(jnp.float32) + p_ref[1].astype(jnp.float32))
    cnt = jnp.maximum(s[:, _D:_D + 1], 1.0)
    mean = s[:, :_D] / cnt
    h = mean + jnp.dot(x2_ref[...], w1r_ref[...],
                       preferred_element_type=jnp.float32) + b1_ref[...]
    h = jnp.maximum(h, 0.0)
    y2_ref[...] = (jnp.dot(h, w2le_ref[...],
                           preferred_element_type=jnp.float32)
                   + c2_ref[...]).astype(jnp.bfloat16)
    z2_ref[...] = jnp.dot(h, w2re_ref[...],
                          preferred_element_type=jnp.float32) + b2_ref[...]


def _run_c(p1, x2, w1r, b1, w2l_ext, c2_row, w2r_ext, b2_ext):
    return pl.pallas_call(
        _c_body,
        out_shape=(jax.ShapeDtypeStruct((_N3, _W2), jnp.bfloat16),
                   jax.ShapeDtypeStruct((_N3, _W2), jnp.float32)),
    )(p1, x2, w1r, b1, w2l_ext, c2_row, w2r_ext, b2_ext)



def _e_body(p_ref, z2_ref, out_ref):
    s = (p_ref[0].astype(jnp.float32) + p_ref[1].astype(jnp.float32))
    cnt = jnp.maximum(s[:, 48:49], 1.0)
    logits = s / cnt + z2_ref[...]
    col = lax.broadcasted_iota(jnp.int32, (_N3, _W2), 1)
    ml = jnp.where(col < _DO, logits, -1e30)
    m = jnp.max(ml, axis=1, keepdims=True)
    lse = jnp.log(jnp.sum(jnp.exp(ml - m), axis=1, keepdims=True)) + m
    out_ref[...] = (ml - lse)[:, :_DO]


def _run_e(p2, z2b):
    return pl.pallas_call(
        _e_body,
        out_shape=jax.ShapeDtypeStruct((_N3, _DO), jnp.float32),
    )(p2, z2b)



def kernel(x, edge_index1, edge_index2, W1l, b1, W1r, W2l, b2, W2r):
    f32 = jnp.float32
    x10k = x[:_N2]
    x2 = x[:_N3]

    w1l_ext = jnp.zeros((_D, _W1), f32).at[:, :_D].set(W1l)
    cnt_row = jnp.zeros((1, _W1), f32).at[0, _D].set(1.0)
    w2l_ext = jnp.zeros((_D, _W2), f32).at[:, :_DO].set(W2l)
    c2_row = jnp.zeros((1, _W2), f32).at[0, 48].set(1.0)
    w2r_ext = jnp.zeros((_D, _W2), f32).at[:, :_DO].set(W2r)
    b2_ext = jnp.zeros((1, _W2), f32).at[0, :_DO].set(b2)
    b1r = b1.reshape(1, _D)

    e1p = _NW * _CAP
    src1 = edge_index1[0].astype(jnp.int32)
    dst1 = edge_index1[1].astype(jnp.int32)
    pad = e1p - src1.shape[0]
    packed = dst1 * _PK + src1
    packed = jnp.concatenate([packed, jnp.full((pad,), _N2 * _PK, jnp.int32)])
    packed = packed.reshape(_NW, _CAP)
    zsrc = jnp.zeros((_CAP // _CH, _CH), jnp.int32)
    d2d = (_N3 + (jnp.arange(_CAP, dtype=jnp.int32) & 127)).reshape(
        _CAP // _CH, _CH)
    src2 = edge_index2[0].astype(jnp.int32).reshape(_NW, _C2, _CH)
    dst2 = edge_index2[1].astype(jnp.int32).reshape(_NW, _C2, _CH)

    zeros1 = jnp.zeros((_ACC1_ROWS // _NS, _W1), jnp.bfloat16)
    zeros2 = jnp.zeros((_N3 // _NS, _W2), jnp.bfloat16)

    y1ext = _run_a(x10k, w1l_ext, cnt_row)
    p1 = _run_sc1(y1ext, packed, zsrc, d2d, zeros1)
    y2ext, z2b = _run_c(p1, x2, W1r, b1r, w2l_ext, c2_row, w2r_ext, b2_ext)
    p2 = _run_sc(y2ext, src2, dst2, zeros2, _C2, _N3, _W2)
    return _run_e(p2, z2b)

# --- scband reference (transcript-rebuilt; emitter-appended) ---
"""Pipeline reference for scband-sage-15118284882235 (READ-ONLY COPY).

The authoritative reference and input builder live on the scoring server;
editing this copy changes nothing except your own understanding.
"""

import jax, jax.numpy as jnp
import numpy as np

N1, N2, N3 = 50000, 10000, 2048
E1, E2 = 160000, 32768
D_IN, D_H, D_OUT = 128, 128, 47


def setup_inputs(seed: int = 0) -> dict:
    key = jax.random.key(seed)
    ks = jax.random.split(key, 9)
    x = jax.random.normal(ks[0], (N1, D_IN), dtype=jnp.float32)
    # edge_index layer 1: src in [0, N1) (restricted to [0, N2) for harness parity), dst in [0, N2)
    edge_index1 = jax.random.randint(ks[1], (2, E1), 0, N2)
    # edge_index layer 2: src in [0, N2) (restricted to [0, N3)), dst in [0, N3)
    edge_index2 = jax.random.randint(ks[2], (2, E2), 0, N3)
    s1 = 1.0 / np.sqrt(D_IN)
    s2 = 1.0 / np.sqrt(D_H)
    W1l = jax.random.uniform(ks[3], (D_IN, D_H), jnp.float32, -s1, s1)
    b1 = jax.random.uniform(ks[4], (D_H,), jnp.float32, -s1, s1)
    W1r = jax.random.uniform(ks[5], (D_IN, D_H), jnp.float32, -s1, s1)
    W2l = jax.random.uniform(ks[6], (D_H, D_OUT), jnp.float32, -s2, s2)
    b2 = jax.random.uniform(ks[7], (D_OUT,), jnp.float32, -s2, s2)
    W2r = jax.random.uniform(ks[8], (D_H, D_OUT), jnp.float32, -s2, s2)
    return {"x": x, "edge_index1": edge_index1, "edge_index2": edge_index2,
            "W1l": W1l, "b1": b1, "W1r": W1r, "W2l": W2l, "b2": b2, "W2r": W2r}


def _sage_conv(x_src, x_dst, edge_index, Wl, bl, Wr):
    # PyG SAGEConv, aggr='mean', bipartite input ((x_src, x_dst), edge_index).
    # out = lin_l(mean_{j in N(i)} x_src[j]) + lin_r(x_dst[i]); lin_r has no bias.
    src = edge_index[0]
    dst = edge_index[1]
    msgs = jnp.take(x_src, src, axis=0)                                   # gather
    summed = jax.ops.segment_sum(msgs, dst, num_segments=x_dst.shape[0])  # scatter-add
    cnt = jax.ops.segment_sum(jnp.ones((edge_index.shape[1],), x_src.dtype), dst,
                              num_segments=x_dst.shape[0])
    mean = summed / jnp.maximum(cnt, 1.0)[:, None]
    return mean @ Wl + bl + x_dst @ Wr


def reference(x, edge_index1, edge_index2, W1l, b1, W1r, W2l, b2, W2r):
    # layer 1
    x_target = x[:N2]
    h = _sage_conv(x, x_target, edge_index1, W1l, b1, W1r)
    h = jax.nn.relu(h)  # dropout is identity in eval mode
    # layer 2 (last layer: no relu/dropout)
    h_target = h[:N3]
    out = _sage_conv(h, h_target, edge_index2, W2l, b2, W2r)
    return jax.nn.log_softmax(out, axis=-1)

if __name__ == "__main__":
    import jax
    _d = setup_inputs()
    print(jax.jit(kernel)(*tuple(_d.values())))

</pallas_src>

<mosaic_0001>
#map = affine_map<(d0, d1) -> (0, 0)>
#map1 = affine_map<(d0, d1) -> (0, 0, 0)>
module attributes {stable_mosaic.version = 14 : i64} {
  func.func @_sc_body(%arg0: i32, %arg1: i32, %arg2: memref<2048x64xbf16, #tpu.memory_space<hbm>>, %arg3: memref<32x8x128xi32, #tpu.memory_space<hbm>>, %arg4: memref<32x8x128xi32, #tpu.memory_space<hbm>>, %arg5: memref<128x64xbf16, #tpu.memory_space<hbm>>, %arg6: memref<2x2048x64xbf16, #tpu.memory_space<hbm>>, %arg7: memref<8x128xi32, #tpu.memory_space<vmem>>, %arg8: memref<8x128xi32, #tpu.memory_space<vmem>>, %arg9: memref<4x128x64xbf16, #tpu.memory_space<vmem>>, %arg10: memref<2048x64xbf16, #tpu.memory_space<vmem_shared>>, %arg11: memref<4x!tpu.dma_semaphore, #tpu.memory_space<semaphore_mem>>, %arg12: memref<4x!tpu.dma_semaphore, #tpu.memory_space<semaphore_mem>>) attributes {dimension_semantics = [#tpu.dimension_semantics<core_parallel>, #tpu.dimension_semantics<subcore_parallel>], iteration_bounds = array<i64: 2, 16>, scalar_prefetch = 0 : i64, scratch_operands = 6 : i64, tpu.core_type = #tpu.core_type<sc_vector_subcore>, window_params = [{transform_indices = #map}, {transform_indices = #map1}, {transform_indices = #map1}, {transform_indices = #map}, {transform_indices = #map1}]} {
    %mul3A = arith.constant 2 : i32
    %mul3A_0 = arith.muli %arg1, %mul3A : i32
    %add3A = arith.addi %mul3A_0, %arg0 : i32
    %mul3A_1 = arith.constant 128 : i32
    %mul3A_2 = arith.muli %arg1, %mul3A_1 : i32
    "tpu.region"() ({
      %run_scoped3A = tpu.sem_alloc : memref<!tpu.dma_semaphore, #tpu.memory_space<semaphore_mem>>
      %dma_start3A = arith.constant 0 : i32
      %dma_start3A_12 = tpu.memref_slice %arg10[%mul3A_2, %dma_start3A] : memref<2048x64xbf16, #tpu.memory_space<vmem_shared>> -> memref<128x64xbf16, #tpu.memory_space<vmem_shared>>
      tpu.enqueue_dma source(%arg5 : memref<128x64xbf16, #tpu.memory_space<hbm>>) target(%dma_start3A_12 : memref<128x64xbf16, #tpu.memory_space<vmem_shared>>) target_semaphore(%run_scoped3A : memref<!tpu.dma_semaphore, #tpu.memory_space<semaphore_mem>>)
      %dma_wait3A = arith.constant 0 : i32
      %dma_wait3A_13 = tpu.memref_slice %arg10[%mul3A_2, %dma_wait3A] : memref<2048x64xbf16, #tpu.memory_space<vmem_shared>> -> memref<128x64xbf16, #tpu.memory_space<vmem_shared>>
      tpu.wait_dma2 semaphore(%run_scoped3A : memref<!tpu.dma_semaphore, #tpu.memory_space<semaphore_mem>>) src(%arg5 : memref<128x64xbf16, #tpu.memory_space<hbm>>) dst(%dma_wait3A_13 : memref<128x64xbf16, #tpu.memory_space<vmem_shared>>)
      tpu.yield
    }) : () -> ()
    "tpu.region"() ({
      %run_scoped3A = tpu.sem_alloc : memref<!tpu.dma_semaphore, #tpu.memory_space<semaphore_mem>>
      %dma_start3A = arith.constant 0 : i32
      %dma_start3A_12 = arith.constant 0 : i32
      %dma_start3A_13 = tpu.memref_slice %arg3[%add3A, %dma_start3A, %dma_start3A_12] : memref<32x8x128xi32, #tpu.memory_space<hbm>> -> memref<1x8x128xi32, #tpu.memory_space<hbm>>
      %dma_start3A_14 = tpu.memref_squeeze %dma_start3A_13 : memref<1x8x128xi32, #tpu.memory_space<hbm>> -> memref<8x128xi32, #tpu.memory_space<hbm>>
      %dma_start3A_15 = arith.constant 0 : i32
      %dma_start3A_16 = arith.constant 0 : i32
      %dma_start3A_17 = tpu.memref_slice %arg3[%add3A, %dma_start3A_15, %dma_start3A_16] : memref<32x8x128xi32, #tpu.memory_space<hbm>> -> memref<1x8x128xi32, #tpu.memory_space<hbm>>
      %dma_start3A_18 = tpu.memref_squeeze %dma_start3A_17 : memref<1x8x128xi32, #tpu.memory_space<hbm>> -> memref<8x128xi32, #tpu.memory_space<hbm>>
      tpu.enqueue_dma source(%dma_start3A_18 : memref<8x128xi32, #tpu.memory_space<hbm>>) target(%arg7 : memref<8x128xi32, #tpu.memory_space<vmem>>) target_semaphore(%run_scoped3A : memref<!tpu.dma_semaphore, #tpu.memory_space<semaphore_mem>>)
      %dma_wait3A = arith.constant 0 : i32
      %dma_wait3A_19 = arith.constant 0 : i32
      %dma_wait3A_20 = tpu.memref_slice %arg3[%add3A, %dma_wait3A, %dma_wait3A_19] : memref<32x8x128xi32, #tpu.memory_space<hbm>> -> memref<1x8x128xi32, #tpu.memory_space<hbm>>
      %dma_wait3A_21 = tpu.memref_squeeze %dma_wait3A_20 : memref<1x8x128xi32, #tpu.memory_space<hbm>> -> memref<8x128xi32, #tpu.memory_space<hbm>>
      %dma_wait3A_22 = arith.constant 0 : i32
      %dma_wait3A_23 = arith.constant 0 : i32
      %dma_wait3A_24 = tpu.memref_slice %arg3[%add3A, %dma_wait3A_22, %dma_wait3A_23] : memref<32x8x128xi32, #tpu.memory_space<hbm>> -> memref<1x8x128xi32, #tpu.memory_space<hbm>>
      %dma_wait3A_25 = tpu.memref_squeeze %dma_wait3A_24 : memref<1x8x128xi32, #tpu.memory_space<hbm>> -> memref<8x128xi32, #tpu.memory_space<hbm>>
      tpu.wait_dma2 semaphore(%run_scoped3A : memref<!tpu.dma_semaphore, #tpu.memory_space<semaphore_mem>>) src(%dma_wait3A_25 : memref<8x128xi32, #tpu.memory_space<hbm>>) dst(%arg7 : memref<8x128xi32, #tpu.memory_space<vmem>>)
      tpu.yield
    }) : () -> ()
    "tpu.region"() ({
      %run_scoped3A = tpu.sem_alloc : memref<!tpu.dma_semaphore, #tpu.memory_space<semaphore_mem>>
      %dma_start3A = arith.constant 0 : i32
      %dma_start3A_12 = arith.constant 0 : i32
      %dma_start3A_13 = tpu.memref_slice %arg4[%add3A, %dma_start3A, %dma_start3A_12] : memref<32x8x128xi32, #tpu.memory_space<hbm>> -> memref<1x8x128xi32, #tpu.memory_space<hbm>>
      %dma_start3A_14 = tpu.memref_squeeze %dma_start3A_13 : memref<1x8x128xi32, #tpu.memory_space<hbm>> -> memref<8x128xi32, #tpu.memory_space<hbm>>
      %dma_start3A_15 = arith.constant 0 : i32
      %dma_start3A_16 = arith.constant 0 : i32
      %dma_start3A_17 = tpu.memref_slice %arg4[%add3A, %dma_start3A_15, %dma_start3A_16] : memref<32x8x128xi32, #tpu.memory_space<hbm>> -> memref<1x8x128xi32, #tpu.memory_space<hbm>>
      %dma_start3A_18 = tpu.memref_squeeze %dma_start3A_17 : memref<1x8x128xi32, #tpu.memory_space<hbm>> -> memref<8x128xi32, #tpu.memory_space<hbm>>
      tpu.enqueue_dma source(%dma_start3A_18 : memref<8x128xi32, #tpu.memory_space<hbm>>) target(%arg8 : memref<8x128xi32, #tpu.memory_space<vmem>>) target_semaphore(%run_scoped3A : memref<!tpu.dma_semaphore, #tpu.memory_space<semaphore_mem>>)
      %dma_wait3A = arith.constant 0 : i32
      %dma_wait3A_19 = arith.constant 0 : i32
      %dma_wait3A_20 = tpu.memref_slice %arg4[%add3A, %dma_wait3A, %dma_wait3A_19] : memref<32x8x128xi32, #tpu.memory_space<hbm>> -> memref<1x8x128xi32, #tpu.memory_space<hbm>>
      %dma_wait3A_21 = tpu.memref_squeeze %dma_wait3A_20 : memref<1x8x128xi32, #tpu.memory_space<hbm>> -> memref<8x128xi32, #tpu.memory_space<hbm>>
      %dma_wait3A_22 = arith.constant 0 : i32
      %dma_wait3A_23 = arith.constant 0 : i32
      %dma_wait3A_24 = tpu.memref_slice %arg4[%add3A, %dma_wait3A_22, %dma_wait3A_23] : memref<32x8x128xi32, #tpu.memory_space<hbm>> -> memref<1x8x128xi32, #tpu.memory_space<hbm>>
      %dma_wait3A_25 = tpu.memref_squeeze %dma_wait3A_24 : memref<1x8x128xi32, #tpu.memory_space<hbm>> -> memref<8x128xi32, #tpu.memory_space<hbm>>
      tpu.wait_dma2 semaphore(%run_scoped3A : memref<!tpu.dma_semaphore, #tpu.memory_space<semaphore_mem>>) src(%dma_wait3A_25 : memref<8x128xi32, #tpu.memory_space<hbm>>) dst(%arg8 : memref<8x128xi32, #tpu.memory_space<vmem>>)
      tpu.yield
    }) : () -> ()
    %barrier3A = arith.constant 0 : index
    tpu.barrier barrier_id(%barrier3A)
    %scan3A = arith.constant 0 : i32
    %scan3A_3 = arith.constant 2 : i32
    %scan3A_4 = arith.addi %scan3A, %scan3A_3 : i32
    %scan3A_5 = arith.constant 1 : i32
    scf.for %scan3A_12 = %scan3A to %scan3A_4 step %scan3A_5  : i32 {
      %mul3A_13 = arith.constant 4 : i32
      %mul3A_14 = arith.muli %scan3A_12, %mul3A_13 : i32
      %add3A_15 = arith.constant 0 : i32
      %add3A_16 = arith.addi %add3A_15, %mul3A_14 : i32
      %add3A_17 = arith.constant 0 : i32
      %add3A_18 = arith.addi %add3A_16, %add3A_17 : i32
      %dma_start3A = arith.constant 0 : i32
      %dma_start3A_19 = arith.constant 0 : i32
      %dma_start3A_20 = arith.constant 0 : i32
      %dma_start3A_21 = arith.constant 0 : i32
      %dma_start3A_22 = tpu.memref_slice %arg9[%dma_start3A, %dma_start3A_20, %dma_start3A_21] : memref<4x128x64xbf16, #tpu.memory_space<vmem>> -> memref<1x128x64xbf16, #tpu.memory_space<vmem>>
      %dma_start3A_23 = tpu.memref_squeeze %dma_start3A_22 : memref<1x128x64xbf16, #tpu.memory_space<vmem>> -> memref<128x64xbf16, #tpu.memory_space<vmem>>
      %dma_start3A_24 = arith.constant 0 : i32
      %dma_start3A_25 = tpu.memref_slice %arg7[%add3A_18, %dma_start3A_24] : memref<8x128xi32, #tpu.memory_space<vmem>> -> memref<1x128xi32, #tpu.memory_space<vmem>>
      %dma_start3A_26 = tpu.memref_squeeze %dma_start3A_25 : memref<1x128xi32, #tpu.memory_space<vmem>> -> memref<128xi32, #tpu.memory_space<vmem>>
      %dma_start3A_27 = arith.constant 0 : i32
      %dma_start3A_28 = arith.constant 0 : i32
      %dma_start3A_29 = tpu.memref_slice %arg2[%dma_start3A_27, %dma_start3A_28] : memref<2048x64xbf16, #tpu.memory_space<hbm>> -> memref<2048x64xbf16, #tpu.memory_space<hbm>>
      %dma_start3A_30 = tpu.memref_slice %arg11[%dma_start3A_19] : memref<4x!tpu.dma_semaphore, #tpu.memory_space<semaphore_mem>> -> memref<1x!tpu.dma_semaphore, #tpu.memory_space<semaphore_mem>>
      %dma_start3A_31 = tpu.memref_squeeze %dma_start3A_30 : memref<1x!tpu.dma_semaphore, #tpu.memory_space<semaphore_mem>> -> memref<!tpu.dma_semaphore, #tpu.memory_space<semaphore_mem>>
      tpu.enqueue_indirect_dma source(%dma_start3A_29 : memref<2048x64xbf16, #tpu.memory_space<hbm>>) target(%dma_start3A_23 : memref<128x64xbf16, #tpu.memory_space<vmem>>) offsets(%dma_start3A_26 : memref<128xi32, #tpu.memory_space<vmem>>) semaphore(%dma_start3A_31 : memref<!tpu.dma_semaphore, #tpu.memory_space<semaphore_mem>>)
      %add3A_32 = arith.constant 1 : i32
      %add3A_33 = arith.addi %add3A_16, %add3A_32 : i32
      %dma_start3A_34 = arith.constant 1 : i32
      %dma_start3A_35 = arith.constant 1 : i32
      %dma_start3A_36 = arith.constant 0 : i32
      %dma_start3A_37 = arith.constant 0 : i32
      %dma_start3A_38 = tpu.memref_slice %arg9[%dma_start3A_34, %dma_start3A_36, %dma_start3A_37] : memref<4x128x64xbf16, #tpu.memory_space<vmem>> -> memref<1x128x64xbf16, #tpu.memory_space<vmem>>
      %dma_start3A_39 = tpu.memref_squeeze %dma_start3A_38 : memref<1x128x64xbf16, #tpu.memory_space<vmem>> -> memref<128x64xbf16, #tpu.memory_space<vmem>>
      %dma_start3A_40 = arith.constant 0 : i32
      %dma_start3A_41 = tpu.memref_slice %arg7[%add3A_33, %dma_start3A_40] : memref<8x128xi32, #tpu.memory_space<vmem>> -> memref<1x128xi32, #tpu.memory_space<vmem>>
      %dma_start3A_42 = tpu.memref_squeeze %dma_start3A_41 : memref<1x128xi32, #tpu.memory_space<vmem>> -> memref<128xi32, #tpu.memory_space<vmem>>
      %dma_start3A_43 = arith.constant 0 : i32
      %dma_start3A_44 = arith.constant 0 : i32
      %dma_start3A_45 = tpu.memref_slice %arg2[%dma_start3A_43, %dma_start3A_44] : memref<2048x64xbf16, #tpu.memory_space<hbm>> -> memref<2048x64xbf16, #tpu.memory_space<hbm>>
      %dma_start3A_46 = tpu.memref_slice %arg11[%dma_start3A_35] : memref<4x!tpu.dma_semaphore, #tpu.memory_space<semaphore_mem>> -> memref<1x!tpu.dma_semaphore, #tpu.memory_space<semaphore_mem>>
      %dma_start3A_47 = tpu.memref_squeeze %dma_start3A_46 : memref<1x!tpu.dma_semaphore, #tpu.memory_space<semaphore_mem>> -> memref<!tpu.dma_semaphore, #tpu.memory_space<semaphore_mem>>
      tpu.enqueue_indirect_dma source(%dma_start3A_45 : memref<2048x64xbf16, #tpu.memory_space<hbm>>) target(%dma_start3A_39 : memref<128x64xbf16, #tpu.memory_space<vmem>>) offsets(%dma_start3A_42 : memref<128xi32, #tpu.memory_space<vmem>>) semaphore(%dma_start3A_47 : memref<!tpu.dma_semaphore, #tpu.memory_space<semaphore_mem>>)
      %add3A_48 = arith.constant 2 : i32
      %add3A_49 = arith.addi %add3A_16, %add3A_48 : i32
      %dma_start3A_50 = arith.constant 2 : i32
      %dma_start3A_51 = arith.constant 2 : i32
      %dma_start3A_52 = arith.constant 0 : i32
      %dma_start3A_53 = arith.constant 0 : i32
      %dma_start3A_54 = tpu.memref_slice %arg9[%dma_start3A_50, %dma_start3A_52, %dma_start3A_53] : memref<4x128x64xbf16, #tpu.memory_space<vmem>> -> memref<1x128x64xbf16, #tpu.memory_space<vmem>>
      %dma_start3A_55 = tpu.memref_squeeze %dma_start3A_54 : memref<1x128x64xbf16, #tpu.memory_space<vmem>> -> memref<128x64xbf16, #tpu.memory_space<vmem>>
      %dma_start3A_56 = arith.constant 0 : i32
      %dma_start3A_57 = tpu.memref_slice %arg7[%add3A_49, %dma_start3A_56] : memref<8x128xi32, #tpu.memory_space<vmem>> -> memref<1x128xi32, #tpu.memory_space<vmem>>
      %dma_start3A_58 = tpu.memref_squeeze %dma_start3A_57 : memref<1x128xi32, #tpu.memory_space<vmem>> -> memref<128xi32, #tpu.memory_space<vmem>>
      %dma_start3A_59 = arith.constant 0 : i32
      %dma_start3A_60 = arith.constant 0 : i32
      %dma_start3A_61 = tpu.memref_slice %arg2[%dma_start3A_59, %dma_start3A_60] : memref<2048x64xbf16, #tpu.memory_space<hbm>> -> memref<2048x64xbf16, #tpu.memory_space<hbm>>
      %dma_start3A_62 = tpu.memref_slice %arg11[%dma_start3A_51] : memref<4x!tpu.dma_semaphore, #tpu.memory_space<semaphore_mem>> -> memref<1x!tpu.dma_semaphore, #tpu.memory_space<semaphore_mem>>
      %dma_start3A_63 = tpu.memref_squeeze %dma_start3A_62 : memref<1x!tpu.dma_semaphore, #tpu.memory_space<semaphore_mem>> -> memref<!tpu.dma_semaphore, #tpu.memory_space<semaphore_mem>>
      tpu.enqueue_indirect_dma source(%dma_start3A_61 : memref<2048x64xbf16, #tpu.memory_space<hbm>>) target(%dma_start3A_55 : memref<128x64xbf16, #tpu.memory_space<vmem>>) offsets(%dma_start3A_58 : memref<128xi32, #tpu.memory_space<vmem>>) semaphore(%dma_start3A_63 : memref<!tpu.dma_semaphore, #tpu.memory_space<semaphore_mem>>)
      %add3A_64 = arith.constant 3 : i32
      %add3A_65 = arith.addi %add3A_16, %add3A_64 : i32
      %dma_start3A_66 = arith.constant 3 : i32
      %dma_start3A_67 = arith.constant 3 : i32
      %dma_start3A_68 = arith.constant 0 : i32
      %dma_start3A_69 = arith.constant 0 : i32
      %dma_start3A_70 = tpu.memref_slice %arg9[%dma_start3A_66, %dma_start3A_68, %dma_start3A_69] : memref<4x128x64xbf16, #tpu.memory_space<vmem>> -> memref<1x128x64xbf16, #tpu.memory_space<vmem>>
      %dma_start3A_71 = tpu.memref_squeeze %dma_start3A_70 : memref<1x128x64xbf16, #tpu.memory_space<vmem>> -> memref<128x64xbf16, #tpu.memory_space<vmem>>
      %dma_start3A_72 = arith.constant 0 : i32
      %dma_start3A_73 = tpu.memref_slice %arg7[%add3A_65, %dma_start3A_72] : memref<8x128xi32, #tpu.memory_space<vmem>> -> memref<1x128xi32, #tpu.memory_space<vmem>>
      %dma_start3A_74 = tpu.memref_squeeze %dma_start3A_73 : memref<1x128xi32, #tpu.memory_space<vmem>> -> memref<128xi32, #tpu.memory_space<vmem>>
      %dma_start3A_75 = arith.constant 0 : i32
      %dma_start3A_76 = arith.constant 0 : i32
      %dma_start3A_77 = tpu.memref_slice %arg2[%dma_start3A_75, %dma_start3A_76] : memref<2048x64xbf16, #tpu.memory_space<hbm>> -> memref<2048x64xbf16, #tpu.memory_space<hbm>>
      %dma_start3A_78 = tpu.memref_slice %arg11[%dma_start3A_67] : memref<4x!tpu.dma_semaphore, #tpu.memory_space<semaphore_mem>> -> memref<1x!tpu.dma_semaphore, #tpu.memory_space<semaphore_mem>>
      %dma_start3A_79 = tpu.memref_squeeze %dma_start3A_78 : memref<1x!tpu.dma_semaphore, #tpu.memory_space<semaphore_mem>> -> memref<!tpu.dma_semaphore, #tpu.memory_space<semaphore_mem>>
      tpu.enqueue_indirect_dma source(%dma_start3A_77 : memref<2048x64xbf16, #tpu.memory_space<hbm>>) target(%dma_start3A_71 : memref<128x64xbf16, #tpu.memory_space<vmem>>) offsets(%dma_start3A_74 : memref<128xi32, #tpu.memory_space<vmem>>) semaphore(%dma_start3A_79 : memref<!tpu.dma_semaphore, #tpu.memory_space<semaphore_mem>>)
      %dma_wait3A = arith.constant 0 : i32
      %dma_wait3A_80 = arith.constant 0 : i32
      %dma_wait3A_81 = arith.constant 0 : i32
      %dma_wait3A_82 = arith.constant 0 : i32
      %dma_wait3A_83 = tpu.memref_slice %arg9[%dma_wait3A, %dma_wait3A_81, %dma_wait3A_82] : memref<4x128x64xbf16, #tpu.memory_space<vmem>> -> memref<1x128x64xbf16, #tpu.memory_space<vmem>>
      %dma_wait3A_84 = tpu.memref_squeeze %dma_wait3A_83 : memref<1x128x64xbf16, #tpu.memory_space<vmem>> -> memref<128x64xbf16, #tpu.memory_space<vmem>>
      %dma_wait3A_85 = arith.constant 0 : i32
      %dma_wait3A_86 = tpu.memref_slice %arg7[%add3A_18, %dma_wait3A_85] : memref<8x128xi32, #tpu.memory_space<vmem>> -> memref<1x128xi32, #tpu.memory_space<vmem>>
      %dma_wait3A_87 = tpu.memref_squeeze %dma_wait3A_86 : memref<1x128xi32, #tpu.memory_space<vmem>> -> memref<128xi32, #tpu.memory_space<vmem>>
      %dma_wait3A_88 = arith.constant 0 : i32
      %dma_wait3A_89 = arith.constant 0 : i32
      %dma_wait3A_90 = tpu.memref_slice %arg2[%dma_wait3A_88, %dma_wait3A_89] : memref<2048x64xbf16, #tpu.memory_space<hbm>> -> memref<2048x64xbf16, #tpu.memory_space<hbm>>
      %dma_wait3A_91 = tpu.memref_slice %arg11[%dma_wait3A_80] : memref<4x!tpu.dma_semaphore, #tpu.memory_space<semaphore_mem>> -> memref<1x!tpu.dma_semaphore, #tpu.memory_space<semaphore_mem>>
      %dma_wait3A_92 = tpu.memref_squeeze %dma_wait3A_91 : memref<1x!tpu.dma_semaphore, #tpu.memory_space<semaphore_mem>> -> memref<!tpu.dma_semaphore, #tpu.memory_space<semaphore_mem>>
      tpu.wait_indirect_dma semaphore(%dma_wait3A_92 : memref<!tpu.dma_semaphore, #tpu.memory_space<semaphore_mem>>) src(%dma_wait3A_90 : memref<2048x64xbf16, #tpu.memory_space<hbm>>) dst(%dma_wait3A_84 : memref<128x64xbf16, #tpu.memory_space<vmem>>)
      %add3A_93 = arith.constant 0 : i32
      %add3A_94 = arith.addi %add3A_16, %add3A_93 : i32
      %dma_start3A_95 = arith.constant 0 : i32
      %dma_start3A_96 = arith.constant 0 : i32
      %dma_start3A_97 = arith.constant 0 : i32
      %dma_start3A_98 = arith.constant 0 : i32
      %dma_start3A_99 = tpu.memref_slice %arg9[%dma_start3A_95, %dma_start3A_97, %dma_start3A_98] : memref<4x128x64xbf16, #tpu.memory_space<vmem>> -> memref<1x128x64xbf16, #tpu.memory_space<vmem>>
      %dma_start3A_100 = tpu.memref_squeeze %dma_start3A_99 : memref<1x128x64xbf16, #tpu.memory_space<vmem>> -> memref<128x64xbf16, #tpu.memory_space<vmem>>
      %dma_start3A_101 = arith.constant 0 : i32
      %dma_start3A_102 = tpu.memref_slice %arg8[%add3A_94, %dma_start3A_101] : memref<8x128xi32, #tpu.memory_space<vmem>> -> memref<1x128xi32, #tpu.memory_space<vmem>>
      %dma_start3A_103 = tpu.memref_squeeze %dma_start3A_102 : memref<1x128xi32, #tpu.memory_space<vmem>> -> memref<128xi32, #tpu.memory_space<vmem>>
      %dma_start3A_104 = arith.constant 0 : i32
      %dma_start3A_105 = arith.constant 0 : i32
      %dma_start3A_106 = tpu.memref_slice %arg10[%dma_start3A_104, %dma_start3A_105] : memref<2048x64xbf16, #tpu.memory_space<vmem_shared>> -> memref<2048x64xbf16, #tpu.memory_space<vmem_shared>>
      %dma_start3A_107 = tpu.memref_slice %arg12[%dma_start3A_96] : memref<4x!tpu.dma_semaphore, #tpu.memory_space<semaphore_mem>> -> memref<1x!tpu.dma_semaphore, #tpu.memory_space<semaphore_mem>>
      %dma_start3A_108 = tpu.memref_squeeze %dma_start3A_107 : memref<1x!tpu.dma_semaphore, #tpu.memory_space<semaphore_mem>> -> memref<!tpu.dma_semaphore, #tpu.memory_space<semaphore_mem>>
      tpu.enqueue_indirect_dma source(%dma_start3A_100 : memref<128x64xbf16, #tpu.memory_space<vmem>>) target(%dma_start3A_106 : memref<2048x64xbf16, #tpu.memory_space<vmem_shared>>) offsets(%dma_start3A_103 : memref<128xi32, #tpu.memory_space<vmem>>) semaphore(%dma_start3A_108 : memref<!tpu.dma_semaphore, #tpu.memory_space<semaphore_mem>>) {add = true}
      %dma_wait3A_109 = arith.constant 1 : i32
      %dma_wait3A_110 = arith.constant 1 : i32
      %dma_wait3A_111 = arith.constant 0 : i32
      %dma_wait3A_112 = arith.constant 0 : i32
      %dma_wait3A_113 = tpu.memref_slice %arg9[%dma_wait3A_109, %dma_wait3A_111, %dma_wait3A_112] : memref<4x128x64xbf16, #tpu.memory_space<vmem>> -> memref<1x128x64xbf16, #tpu.memory_space<vmem>>
      %dma_wait3A_114 = tpu.memref_squeeze %dma_wait3A_113 : memref<1x128x64xbf16, #tpu.memory_space<vmem>> -> memref<128x64xbf16, #tpu.memory_space<vmem>>
      %dma_wait3A_115 = arith.constant 0 : i32
      %dma_wait3A_116 = tpu.memref_slice %arg7[%add3A_33, %dma_wait3A_115] : memref<8x128xi32, #tpu.memory_space<vmem>> -> memref<1x128xi32, #tpu.memory_space<vmem>>
      %dma_wait3A_117 = tpu.memref_squeeze %dma_wait3A_116 : memref<1x128xi32, #tpu.memory_space<vmem>> -> memref<128xi32, #tpu.memory_space<vmem>>
      %dma_wait3A_118 = arith.constant 0 : i32
      %dma_wait3A_119 = arith.constant 0 : i32
      %dma_wait3A_120 = tpu.memref_slice %arg2[%dma_wait3A_118, %dma_wait3A_119] : memref<2048x64xbf16, #tpu.memory_space<hbm>> -> memref<2048x64xbf16, #tpu.memory_space<hbm>>
      %dma_wait3A_121 = tpu.memref_slice %arg11[%dma_wait3A_110] : memref<4x!tpu.dma_semaphore, #tpu.memory_space<semaphore_mem>> -> memref<1x!tpu.dma_semaphore, #tpu.memory_space<semaphore_mem>>
      %dma_wait3A_122 = tpu.memref_squeeze %dma_wait3A_121 : memref<1x!tpu.dma_semaphore, #tpu.memory_space<semaphore_mem>> -> memref<!tpu.dma_semaphore, #tpu.memory_space<semaphore_mem>>
      tpu.wait_indirect_dma semaphore(%dma_wait3A_122 : memref<!tpu.dma_semaphore, #tpu.memory_space<semaphore_mem>>) src(%dma_wait3A_120 : memref<2048x64xbf16, #tpu.memory_space<hbm>>) dst(%dma_wait3A_114 : memref<128x64xbf16, #tpu.memory_space<vmem>>)
      %add3A_123 = arith.constant 1 : i32
      %add3A_124 = arith.addi %add3A_16, %add3A_123 : i32
      %dma_start3A_125 = arith.constant 1 : i32
      %dma_start3A_126 = arith.constant 1 : i32
      %dma_start3A_127 = arith.constant 0 : i32
      %dma_start3A_128 = arith.constant 0 : i32
      %dma_start3A_129 = tpu.memref_slice %arg9[%dma_start3A_125, %dma_start3A_127, %dma_start3A_128] : memref<4x128x64xbf16, #tpu.memory_space<vmem>> -> memref<1x128x64xbf16, #tpu.memory_space<vmem>>
      %dma_start3A_130 = tpu.memref_squeeze %dma_start3A_129 : memref<1x128x64xbf16, #tpu.memory_space<vmem>> -> memref<128x64xbf16, #tpu.memory_space<vmem>>
      %dma_start3A_131 = arith.constant 0 : i32
      %dma_start3A_132 = tpu.memref_slice %arg8[%add3A_124, %dma_start3A_131] : memref<8x128xi32, #tpu.memory_space<vmem>> -> memref<1x128xi32, #tpu.memory_space<vmem>>
      %dma_start3A_133 = tpu.memref_squeeze %dma_start3A_132 : memref<1x128xi32, #tpu.memory_space<vmem>> -> memref<128xi32, #tpu.memory_space<vmem>>
      %dma_start3A_134 = arith.constant 0 : i32
      %dma_start3A_135 = arith.constant 0 : i32
      %dma_start3A_136 = tpu.memref_slice %arg10[%dma_start3A_134, %dma_start3A_135] : memref<2048x64xbf16, #tpu.memory_space<vmem_shared>> -> memref<2048x64xbf16, #tpu.memory_space<vmem_shared>>
      %dma_start3A_137 = tpu.memref_slice %arg12[%dma_start3A_126] : memref<4x!tpu.dma_semaphore, #tpu.memory_space<semaphore_mem>> -> memref<1x!tpu.dma_semaphore, #tpu.memory_space<semaphore_mem>>
      %dma_start3A_138 = tpu.memref_squeeze %dma_start3A_137 : memref<1x!tpu.dma_semaphore, #tpu.memory_space<semaphore_mem>> -> memref<!tpu.dma_semaphore, #tpu.memory_space<semaphore_mem>>
      tpu.enqueue_indirect_dma source(%dma_start3A_130 : memref<128x64xbf16, #tpu.memory_space<vmem>>) target(%dma_start3A_136 : memref<2048x64xbf16, #tpu.memory_space<vmem_shared>>) offsets(%dma_start3A_133 : memref<128xi32, #tpu.memory_space<vmem>>) semaphore(%dma_start3A_138 : memref<!tpu.dma_semaphore, #tpu.memory_space<semaphore_mem>>) {add = true}
      %dma_wait3A_139 = arith.constant 2 : i32
      %dma_wait3A_140 = arith.constant 2 : i32
      %dma_wait3A_141 = arith.constant 0 : i32
      %dma_wait3A_142 = arith.constant 0 : i32
      %dma_wait3A_143 = tpu.memref_slice %arg9[%dma_wait3A_139, %dma_wait3A_141, %dma_wait3A_142] : memref<4x128x64xbf16, #tpu.memory_space<vmem>> -> memref<1x128x64xbf16, #tpu.memory_space<vmem>>
      %dma_wait3A_144 = tpu.memref_squeeze %dma_wait3A_143 : memref<1x128x64xbf16, #tpu.memory_space<vmem>> -> memref<128x64xbf16, #tpu.memory_space<vmem>>
      %dma_wait3A_145 = arith.constant 0 : i32
      %dma_wait3A_146 = tpu.memref_slice %arg7[%add3A_49, %dma_wait3A_145] : memref<8x128xi32, #tpu.memory_space<vmem>> -> memref<1x128xi32, #tpu.memory_space<vmem>>
      %dma_wait3A_147 = tpu.memref_squeeze %dma_wait3A_146 : memref<1x128xi32, #tpu.memory_space<vmem>> -> memref<128xi32, #tpu.memory_space<vmem>>
      %dma_wait3A_148 = arith.constant 0 : i32
      %dma_wait3A_149 = arith.constant 0 : i32
      %dma_wait3A_150 = tpu.memref_slice %arg2[%dma_wait3A_148, %dma_wait3A_149] : memref<2048x64xbf16, #tpu.memory_space<hbm>> -> memref<2048x64xbf16, #tpu.memory_space<hbm>>
      %dma_wait3A_151 = tpu.memref_slice %arg11[%dma_wait3A_140] : memref<4x!tpu.dma_semaphore, #tpu.memory_space<semaphore_mem>> -> memref<1x!tpu.dma_semaphore, #tpu.memory_space<semaphore_mem>>
      %dma_wait3A_152 = tpu.memref_squeeze %dma_wait3A_151 : memref<1x!tpu.dma_semaphore, #tpu.memory_space<semaphore_mem>> -> memref<!tpu.dma_semaphore, #tpu.memory_space<semaphore_mem>>
      tpu.wait_indirect_dma semaphore(%dma_wait3A_152 : memref<!tpu.dma_semaphore, #tpu.memory_space<semaphore_mem>>) src(%dma_wait3A_150 : memref<2048x64xbf16, #tpu.memory_space<hbm>>) dst(%dma_wait3A_144 : memref<128x64xbf16, #tpu.memory_space<vmem>>)
      %add3A_153 = arith.constant 2 : i32
      %add3A_154 = arith.addi %add3A_16, %add3A_153 : i32
      %dma_start3A_155 = arith.constant 2 : i32
      %dma_start3A_156 = arith.constant 2 : i32
      %dma_start3A_157 = arith.constant 0 : i32
      %dma_start3A_158 = arith.constant 0 : i32
      %dma_start3A_159 = tpu.memref_slice %arg9[%dma_start3A_155, %dma_start3A_157, %dma_start3A_158] : memref<4x128x64xbf16, #tpu.memory_space<vmem>> -> memref<1x128x64xbf16, #tpu.memory_space<vmem>>
      %dma_start3A_160 = tpu.memref_squeeze %dma_start3A_159 : memref<1x128x64xbf16, #tpu.memory_space<vmem>> -> memref<128x64xbf16, #tpu.memory_space<vmem>>
      %dma_start3A_161 = arith.constant 0 : i32
      %dma_start3A_162 = tpu.memref_slice %arg8[%add3A_154, %dma_start3A_161] : memref<8x128xi32, #tpu.memory_space<vmem>> -> memref<1x128xi32, #tpu.memory_space<vmem>>
      %dma_start3A_163 = tpu.memref_squeeze %dma_start3A_162 : memref<1x128xi32, #tpu.memory_space<vmem>> -> memref<128xi32, #tpu.memory_space<vmem>>
      %dma_start3A_164 = arith.constant 0 : i32
      %dma_start3A_165 = arith.constant 0 : i32
      %dma_start3A_166 = tpu.memref_slice %arg10[%dma_start3A_164, %dma_start3A_165] : memref<2048x64xbf16, #tpu.memory_space<vmem_shared>> -> memref<2048x64xbf16, #tpu.memory_space<vmem_shared>>
      %dma_start3A_167 = tpu.memref_slice %arg12[%dma_start3A_156] : memref<4x!tpu.dma_semaphore, #tpu.memory_space<semaphore_mem>> -> memref<1x!tpu.dma_semaphore, #tpu.memory_space<semaphore_mem>>
      %dma_start3A_168 = tpu.memref_squeeze %dma_start3A_167 : memref<1x!tpu.dma_semaphore, #tpu.memory_space<semaphore_mem>> -> memref<!tpu.dma_semaphore, #tpu.memory_space<semaphore_mem>>
      tpu.enqueue_indirect_dma source(%dma_start3A_160 : memref<128x64xbf16, #tpu.memory_space<vmem>>) target(%dma_start3A_166 : memref<2048x64xbf16, #tpu.memory_space<vmem_shared>>) offsets(%dma_start3A_163 : memref<128xi32, #tpu.memory_space<vmem>>) semaphore(%dma_start3A_168 : memref<!tpu.dma_semaphore, #tpu.memory_space<semaphore_mem>>) {add = true}
      %dma_wait3A_169 = arith.constant 3 : i32
      %dma_wait3A_170 = arith.constant 3 : i32
      %dma_wait3A_171 = arith.constant 0 : i32
      %dma_wait3A_172 = arith.constant 0 : i32
      %dma_wait3A_173 = tpu.memref_slice %arg9[%dma_wait3A_169, %dma_wait3A_171, %dma_wait3A_172] : memref<4x128x64xbf16, #tpu.memory_space<vmem>> -> memref<1x128x64xbf16, #tpu.memory_space<vmem>>
      %dma_wait3A_174 = tpu.memref_squeeze %dma_wait3A_173 : memref<1x128x64xbf16, #tpu.memory_space<vmem>> -> memref<128x64xbf16, #tpu.memory_space<vmem>>
      %dma_wait3A_175 = arith.constant 0 : i32
      %dma_wait3A_176 = tpu.memref_slice %arg7[%add3A_65, %dma_wait3A_175] : memref<8x128xi32, #tpu.memory_space<vmem>> -> memref<1x128xi32, #tpu.memory_space<vmem>>
      %dma_wait3A_177 = tpu.memref_squeeze %dma_wait3A_176 : memref<1x128xi32, #tpu.memory_space<vmem>> -> memref<128xi32, #tpu.memory_space<vmem>>
      %dma_wait3A_178 = arith.constant 0 : i32
      %dma_wait3A_179 = arith.constant 0 : i32
      %dma_wait3A_180 = tpu.memref_slice %arg2[%dma_wait3A_178, %dma_wait3A_179] : memref<2048x64xbf16, #tpu.memory_space<hbm>> -> memref<2048x64xbf16, #tpu.memory_space<hbm>>
      %dma_wait3A_181 = tpu.memref_slice %arg11[%dma_wait3A_170] : memref<4x!tpu.dma_semaphore, #tpu.memory_space<semaphore_mem>> -> memref<1x!tpu.dma_semaphore, #tpu.memory_space<semaphore_mem>>
      %dma_wait3A_182 = tpu.memref_squeeze %dma_wait3A_181 : memref<1x!tpu.dma_semaphore, #tpu.memory_space<semaphore_mem>> -> memref<!tpu.dma_semaphore, #tpu.memory_space<semaphore_mem>>
      tpu.wait_indirect_dma semaphore(%dma_wait3A_182 : memref<!tpu.dma_semaphore, #tpu.memory_space<semaphore_mem>>) src(%dma_wait3A_180 : memref<2048x64xbf16, #tpu.memory_space<hbm>>) dst(%dma_wait3A_174 : memref<128x64xbf16, #tpu.memory_space<vmem>>)
      %add3A_183 = arith.constant 3 : i32
      %add3A_184 = arith.addi %add3A_16, %add3A_183 : i32
      %dma_start3A_185 = arith.constant 3 : i32
      %dma_start3A_186 = arith.constant 3 : i32
      %dma_start3A_187 = arith.constant 0 : i32
      %dma_start3A_188 = arith.constant 0 : i32
      %dma_start3A_189 = tpu.memref_slice %arg9[%dma_start3A_185, %dma_start3A_187, %dma_start3A_188] : memref<4x128x64xbf16, #tpu.memory_space<vmem>> -> memref<1x128x64xbf16, #tpu.memory_space<vmem>>
      %dma_start3A_190 = tpu.memref_squeeze %dma_start3A_189 : memref<1x128x64xbf16, #tpu.memory_space<vmem>> -> memref<128x64xbf16, #tpu.memory_space<vmem>>
      %dma_start3A_191 = arith.constant 0 : i32
      %dma_start3A_192 = tpu.memref_slice %arg8[%add3A_184, %dma_start3A_191] : memref<8x128xi32, #tpu.memory_space<vmem>> -> memref<1x128xi32, #tpu.memory_space<vmem>>
      %dma_start3A_193 = tpu.memref_squeeze %dma_start3A_192 : memref<1x128xi32, #tpu.memory_space<vmem>> -> memref<128xi32, #tpu.memory_space<vmem>>
      %dma_start3A_194 = arith.constant 0 : i32
      %dma_start3A_195 = arith.constant 0 : i32
      %dma_start3A_196 = tpu.memref_slice %arg10[%dma_start3A_194, %dma_start3A_195] : memref<2048x64xbf16, #tpu.memory_space<vmem_shared>> -> memref<2048x64xbf16, #tpu.memory_space<vmem_shared>>
      %dma_start3A_197 = tpu.memref_slice %arg12[%dma_start3A_186] : memref<4x!tpu.dma_semaphore, #tpu.memory_space<semaphore_mem>> -> memref<1x!tpu.dma_semaphore, #tpu.memory_space<semaphore_mem>>
      %dma_start3A_198 = tpu.memref_squeeze %dma_start3A_197 : memref<1x!tpu.dma_semaphore, #tpu.memory_space<semaphore_mem>> -> memref<!tpu.dma_semaphore, #tpu.memory_space<semaphore_mem>>
      tpu.enqueue_indirect_dma source(%dma_start3A_190 : memref<128x64xbf16, #tpu.memory_space<vmem>>) target(%dma_start3A_196 : memref<2048x64xbf16, #tpu.memory_space<vmem_shared>>) offsets(%dma_start3A_193 : memref<128xi32, #tpu.memory_space<vmem>>) semaphore(%dma_start3A_198 : memref<!tpu.dma_semaphore, #tpu.memory_space<semaphore_mem>>) {add = true}
      %dma_wait3A_199 = arith.constant 0 : i32
      %dma_wait3A_200 = arith.constant 0 : i32
      %dma_wait3A_201 = arith.constant 0 : i32
      %dma_wait3A_202 = arith.constant 0 : i32
      %dma_wait3A_203 = tpu.memref_slice %arg9[%dma_wait3A_199, %dma_wait3A_201, %dma_wait3A_202] : memref<4x128x64xbf16, #tpu.memory_space<vmem>> -> memref<1x128x64xbf16, #tpu.memory_space<vmem>>
      %dma_wait3A_204 = tpu.memref_squeeze %dma_wait3A_203 : memref<1x128x64xbf16, #tpu.memory_space<vmem>> -> memref<128x64xbf16, #tpu.memory_space<vmem>>
      %dma_wait3A_205 = arith.constant 0 : i32
      %dma_wait3A_206 = tpu.memref_slice %arg8[%add3A_94, %dma_wait3A_205] : memref<8x128xi32, #tpu.memory_space<vmem>> -> memref<1x128xi32, #tpu.memory_space<vmem>>
      %dma_wait3A_207 = tpu.memref_squeeze %dma_wait3A_206 : memref<1x128xi32, #tpu.memory_space<vmem>> -> memref<128xi32, #tpu.memory_space<vmem>>
      %dma_wait3A_208 = arith.constant 0 : i32
      %dma_wait3A_209 = arith.constant 0 : i32
      %dma_wait3A_210 = tpu.memref_slice %arg10[%dma_wait3A_208, %dma_wait3A_209] : memref<2048x64xbf16, #tpu.memory_space<vmem_shared>> -> memref<2048x64xbf16, #tpu.memory_space<vmem_shared>>
      %dma_wait3A_211 = tpu.memref_slice %arg12[%dma_wait3A_200] : memref<4x!tpu.dma_semaphore, #tpu.memory_space<semaphore_mem>> -> memref<1x!tpu.dma_semaphore, #tpu.memory_space<semaphore_mem>>
      %dma_wait3A_212 = tpu.memref_squeeze %dma_wait3A_211 : memref<1x!tpu.dma_semaphore, #tpu.memory_space<semaphore_mem>> -> memref<!tpu.dma_semaphore, #tpu.memory_space<semaphore_mem>>
      tpu.wait_indirect_dma semaphore(%dma_wait3A_212 : memref<!tpu.dma_semaphore, #tpu.memory_space<semaphore_mem>>) src(%dma_wait3A_204 : memref<128x64xbf16, #tpu.memory_space<vmem>>) dst(%dma_wait3A_210 : memref<2048x64xbf16, #tpu.memory_space<vmem_shared>>)
      %dma_wait3A_213 = arith.constant 1 : i32
      %dma_wait3A_214 = arith.constant 1 : i32
      %dma_wait3A_215 = arith.constant 0 : i32
      %dma_wait3A_216 = arith.constant 0 : i32
      %dma_wait3A_217 = tpu.memref_slice %arg9[%dma_wait3A_213, %dma_wait3A_215, %dma_wait3A_216] : memref<4x128x64xbf16, #tpu.memory_space<vmem>> -> memref<1x128x64xbf16, #tpu.memory_space<vmem>>
      %dma_wait3A_218 = tpu.memref_squeeze %dma_wait3A_217 : memref<1x128x64xbf16, #tpu.memory_space<vmem>> -> memref<128x64xbf16, #tpu.memory_space<vmem>>
      %dma_wait3A_219 = arith.constant 0 : i32
      %dma_wait3A_220 = tpu.memref_slice %arg8[%add3A_124, %dma_wait3A_219] : memref<8x128xi32, #tpu.memory_space<vmem>> -> memref<1x128xi32, #tpu.memory_space<vmem>>
      %dma_wait3A_221 = tpu.memref_squeeze %dma_wait3A_220 : memref<1x128xi32, #tpu.memory_space<vmem>> -> memref<128xi32, #tpu.memory_space<vmem>>
      %dma_wait3A_222 = arith.constant 0 : i32
      %dma_wait3A_223 = arith.constant 0 : i32
      %dma_wait3A_224 = tpu.memref_slice %arg10[%dma_wait3A_222, %dma_wait3A_223] : memref<2048x64xbf16, #tpu.memory_space<vmem_shared>> -> memref<2048x64xbf16, #tpu.memory_space<vmem_shared>>
      %dma_wait3A_225 = tpu.memref_slice %arg12[%dma_wait3A_214] : memref<4x!tpu.dma_semaphore, #tpu.memory_space<semaphore_mem>> -> memref<1x!tpu.dma_semaphore, #tpu.memory_space<semaphore_mem>>
      %dma_wait3A_226 = tpu.memref_squeeze %dma_wait3A_225 : memref<1x!tpu.dma_semaphore, #tpu.memory_space<semaphore_mem>> -> memref<!tpu.dma_semaphore, #tpu.memory_space<semaphore_mem>>
      tpu.wait_indirect_dma semaphore(%dma_wait3A_226 : memref<!tpu.dma_semaphore, #tpu.memory_space<semaphore_mem>>) src(%dma_wait3A_218 : memref<128x64xbf16, #tpu.memory_space<vmem>>) dst(%dma_wait3A_224 : memref<2048x64xbf16, #tpu.memory_space<vmem_shared>>)
      %dma_wait3A_227 = arith.constant 2 : i32
      %dma_wait3A_228 = arith.constant 2 : i32
      %dma_wait3A_229 = arith.constant 0 : i32
      %dma_wait3A_230 = arith.constant 0 : i32
      %dma_wait3A_231 = tpu.memref_slice %arg9[%dma_wait3A_227, %dma_wait3A_229, %dma_wait3A_230] : memref<4x128x64xbf16, #tpu.memory_space<vmem>> -> memref<1x128x64xbf16, #tpu.memory_space<vmem>>
      %dma_wait3A_232 = tpu.memref_squeeze %dma_wait3A_231 : memref<1x128x64xbf16, #tpu.memory_space<vmem>> -> memref<128x64xbf16, #tpu.memory_space<vmem>>
      %dma_wait3A_233 = arith.constant 0 : i32
      %dma_wait3A_234 = tpu.memref_slice %arg8[%add3A_154, %dma_wait3A_233] : memref<8x128xi32, #tpu.memory_space<vmem>> -> memref<1x128xi32, #tpu.memory_space<vmem>>
      %dma_wait3A_235 = tpu.memref_squeeze %dma_wait3A_234 : memref<1x128xi32, #tpu.memory_space<vmem>> -> memref<128xi32, #tpu.memory_space<vmem>>
      %dma_wait3A_236 = arith.constant 0 : i32
      %dma_wait3A_237 = arith.constant 0 : i32
      %dma_wait3A_238 = tpu.memref_slice %arg10[%dma_wait3A_236, %dma_wait3A_237] : memref<2048x64xbf16, #tpu.memory_space<vmem_shared>> -> memref<2048x64xbf16, #tpu.memory_space<vmem_shared>>
      %dma_wait3A_239 = tpu.memref_slice %arg12[%dma_wait3A_228] : memref<4x!tpu.dma_semaphore, #tpu.memory_space<semaphore_mem>> -> memref<1x!tpu.dma_semaphore, #tpu.memory_space<semaphore_mem>>
      %dma_wait3A_240 = tpu.memref_squeeze %dma_wait3A_239 : memref<1x!tpu.dma_semaphore, #tpu.memory_space<semaphore_mem>> -> memref<!tpu.dma_semaphore, #tpu.memory_space<semaphore_mem>>
      tpu.wait_indirect_dma semaphore(%dma_wait3A_240 : memref<!tpu.dma_semaphore, #tpu.memory_space<semaphore_mem>>) src(%dma_wait3A_232 : memref<128x64xbf16, #tpu.memory_space<vmem>>) dst(%dma_wait3A_238 : memref<2048x64xbf16, #tpu.memory_space<vmem_shared>>)
      %dma_wait3A_241 = arith.constant 3 : i32
      %dma_wait3A_242 = arith.constant 3 : i32
      %dma_wait3A_243 = arith.constant 0 : i32
      %dma_wait3A_244 = arith.constant 0 : i32
      %dma_wait3A_245 = tpu.memref_slice %arg9[%dma_wait3A_241, %dma_wait3A_243, %dma_wait3A_244] : memref<4x128x64xbf16, #tpu.memory_space<vmem>> -> memref<1x128x64xbf16, #tpu.memory_space<vmem>>
      %dma_wait3A_246 = tpu.memref_squeeze %dma_wait3A_245 : memref<1x128x64xbf16, #tpu.memory_space<vmem>> -> memref<128x64xbf16, #tpu.memory_space<vmem>>
      %dma_wait3A_247 = arith.constant 0 : i32
      %dma_wait3A_248 = tpu.memref_slice %arg8[%add3A_184, %dma_wait3A_247] : memref<8x128xi32, #tpu.memory_space<vmem>> -> memref<1x128xi32, #tpu.memory_space<vmem>>
      %dma_wait3A_249 = tpu.memref_squeeze %dma_wait3A_248 : memref<1x128xi32, #tpu.memory_space<vmem>> -> memref<128xi32, #tpu.memory_space<vmem>>
      %dma_wait3A_250 = arith.constant 0 : i32
      %dma_wait3A_251 = arith.constant 0 : i32
      %dma_wait3A_252 = tpu.memref_slice %arg10[%dma_wait3A_250, %dma_wait3A_251] : memref<2048x64xbf16, #tpu.memory_space<vmem_shared>> -> memref<2048x64xbf16, #tpu.memory_space<vmem_shared>>
      %dma_wait3A_253 = tpu.memref_slice %arg12[%dma_wait3A_242] : memref<4x!tpu.dma_semaphore, #tpu.memory_space<semaphore_mem>> -> memref<1x!tpu.dma_semaphore, #tpu.memory_space<semaphore_mem>>
      %dma_wait3A_254 = tpu.memref_squeeze %dma_wait3A_253 : memref<1x!tpu.dma_semaphore, #tpu.memory_space<semaphore_mem>> -> memref<!tpu.dma_semaphore, #tpu.memory_space<semaphore_mem>>
      tpu.wait_indirect_dma semaphore(%dma_wait3A_254 : memref<!tpu.dma_semaphore, #tpu.memory_space<semaphore_mem>>) src(%dma_wait3A_246 : memref<128x64xbf16, #tpu.memory_space<vmem>>) dst(%dma_wait3A_252 : memref<2048x64xbf16, #tpu.memory_space<vmem_shared>>)
    }
    %scan3A_6 = arith.constant 2 : i32
    %barrier3A_7 = arith.constant 0 : index
    tpu.barrier barrier_id(%barrier3A_7)
    %mul3A_8 = arith.constant 128 : i32
    %mul3A_9 = arith.muli %arg1, %mul3A_8 : i32
    %mul3A_10 = arith.constant 128 : i32
    %mul3A_11 = arith.muli %arg1, %mul3A_10 : i32
    "tpu.region"() ({
      %run_scoped3A = tpu.sem_alloc : memref<!tpu.dma_semaphore, #tpu.memory_space<semaphore_mem>>
      %dma_start3A = arith.constant 0 : i32
      %dma_start3A_12 = tpu.memref_slice %arg6[%arg0, %mul3A_11, %dma_start3A] : memref<2x2048x64xbf16, #tpu.memory_space<hbm>> -> memref<1x128x64xbf16, #tpu.memory_space<hbm>>
      %dma_start3A_13 = tpu.memref_squeeze %dma_start3A_12 : memref<1x128x64xbf16, #tpu.memory_space<hbm>> -> memref<128x64xbf16, #tpu.memory_space<hbm>>
      %dma_start3A_14 = arith.constant 0 : i32
      %dma_start3A_15 = tpu.memref_slice %arg10[%mul3A_9, %dma_start3A_14] : memref<2048x64xbf16, #tpu.memory_space<vmem_shared>> -> memref<128x64xbf16, #tpu.memory_space<vmem_shared>>
      tpu.enqueue_dma source(%dma_start3A_15 : memref<128x64xbf16, #tpu.memory_space<vmem_shared>>) target(%dma_start3A_13 : memref<128x64xbf16, #tpu.memory_space<hbm>>) target_semaphore(%run_scoped3A : memref<!tpu.dma_semaphore, #tpu.memory_space<semaphore_mem>>)
      %dma_wait3A = arith.constant 0 : i32
      %dma_wait3A_16 = tpu.memref_slice %arg6[%arg0, %mul3A_11, %dma_wait3A] : memref<2x2048x64xbf16, #tpu.memory_space<hbm>> -> memref<1x128x64xbf16, #tpu.memory_space<hbm>>
      %dma_wait3A_17 = tpu.memref_squeeze %dma_wait3A_16 : memref<1x128x64xbf16, #tpu.memory_space<hbm>> -> memref<128x64xbf16, #tpu.memory_space<hbm>>
      %dma_wait3A_18 = arith.constant 0 : i32
      %dma_wait3A_19 = tpu.memref_slice %arg10[%mul3A_9, %dma_wait3A_18] : memref<2048x64xbf16, #tpu.memory_space<vmem_shared>> -> memref<128x64xbf16, #tpu.memory_space<vmem_shared>>
      tpu.wait_dma2 semaphore(%run_scoped3A : memref<!tpu.dma_semaphore, #tpu.memory_space<semaphore_mem>>) src(%dma_wait3A_19 : memref<128x64xbf16, #tpu.memory_space<vmem_shared>>) dst(%dma_wait3A_17 : memref<128x64xbf16, #tpu.memory_space<hbm>>)
      tpu.yield
    }) : () -> ()
    return
  }
}

#map = affine_map<(d0, d1) -> (0, 0)>
#map1 = affine_map<(d0, d1) -> (0, 0, 0)>
module attributes {stable_mosaic.version = 14 : i64} {
  func.func @_sc1_body(%arg0: i32, %arg1: i32, %arg2: memref<10000x160xbf16, #tpu.memory_space<hbm>>, %arg3: memref<32x5120xi32, #tpu.memory_space<hbm>>, %arg4: memref<40x128xi32, #tpu.memory_space<hbm>>, %arg5: memref<40x128xi32, #tpu.memory_space<hbm>>, %arg6: memref<136x160xbf16, #tpu.memory_space<hbm>>, %arg7: memref<2x2048x160xbf16, #tpu.memory_space<hbm>>, %arg8: memref<5120xi32, #tpu.memory_space<vmem>>, %arg9: memref<40x128xi32, #tpu.memory_space<vmem>>, %arg10: memref<40x128xi32, #tpu.memory_space<vmem>>, %arg11: memref<4x128x160xbf16, #tpu.memory_space<vmem>>, %arg12: memref<2176x160xbf16, #tpu.memory_space<vmem_shared>>) attributes {dimension_semantics = [#tpu.dimension_semantics<core_parallel>, #tpu.dimension_semantics<subcore_parallel>], iteration_bounds = array<i64: 2, 16>, scalar_prefetch = 0 : i64, scratch_operands = 5 : i64, tpu.core_type = #tpu.core_type<sc_vector_subcore>, window_params = [{transform_indices = #map}, {transform_indices = #map}, {transform_indices = #map}, {transform_indices = #map}, {transform_indices = #map}, {transform_indices = #map1}]} {
    %mul3A = arith.constant 2 : i32
    %mul3A_0 = arith.muli %arg1, %mul3A : i32
    %add3A = arith.addi %mul3A_0, %arg0 : i32
    %mul3A_1 = arith.constant 136 : i32
    %mul3A_2 = arith.muli %arg1, %mul3A_1 : i32
    "tpu.region"() ({
      %run_scoped3A = tpu.sem_alloc : memref<!tpu.dma_semaphore, #tpu.memory_space<semaphore_mem>>
      %dma_start3A = arith.constant 0 : i32
      %dma_start3A_52 = tpu.memref_slice %arg12[%mul3A_2, %dma_start3A] : memref<2176x160xbf16, #tpu.memory_space<vmem_shared>> -> memref<136x160xbf16, #tpu.memory_space<vmem_shared>>
      tpu.enqueue_dma source(%arg6 : memref<136x160xbf16, #tpu.memory_space<hbm>>) target(%dma_start3A_52 : memref<136x160xbf16, #tpu.memory_space<vmem_shared>>) target_semaphore(%run_scoped3A : memref<!tpu.dma_semaphore, #tpu.memory_space<semaphore_mem>>)
      %dma_wait3A = arith.constant 0 : i32
      %dma_wait3A_53 = tpu.memref_slice %arg12[%mul3A_2, %dma_wait3A] : memref<2176x160xbf16, #tpu.memory_space<vmem_shared>> -> memref<136x160xbf16, #tpu.memory_space<vmem_shared>>
      tpu.wait_dma2 semaphore(%run_scoped3A : memref<!tpu.dma_semaphore, #tpu.memory_space<semaphore_mem>>) src(%arg6 : memref<136x160xbf16, #tpu.memory_space<hbm>>) dst(%dma_wait3A_53 : memref<136x160xbf16, #tpu.memory_space<vmem_shared>>)
      tpu.yield
    }) : () -> ()
    "tpu.region"() ({
      %run_scoped3A = tpu.sem_alloc : memref<!tpu.dma_semaphore, #tpu.memory_space<semaphore_mem>>
      %dma_start3A = arith.constant 0 : i32
      %dma_start3A_52 = tpu.memref_slice %arg3[%add3A, %dma_start3A] : memref<32x5120xi32, #tpu.memory_space<hbm>> -> memref<1x5120xi32, #tpu.memory_space<hbm>>
      %dma_start3A_53 = tpu.memref_squeeze %dma_start3A_52 : memref<1x5120xi32, #tpu.memory_space<hbm>> -> memref<5120xi32, #tpu.memory_space<hbm>>
      %dma_start3A_54 = arith.constant 0 : i32
      %dma_start3A_55 = tpu.memref_slice %arg3[%add3A, %dma_start3A_54] : memref<32x5120xi32, #tpu.memory_space<hbm>> -> memref<1x5120xi32, #tpu.memory_space<hbm>>
      %dma_start3A_56 = tpu.memref_squeeze %dma_start3A_55 : memref<1x5120xi32, #tpu.memory_space<hbm>> -> memref<5120xi32, #tpu.memory_space<hbm>>
      tpu.enqueue_dma source(%dma_start3A_56 : memref<5120xi32, #tpu.memory_space<hbm>>) target(%arg8 : memref<5120xi32, #tpu.memory_space<vmem>>) target_semaphore(%run_scoped3A : memref<!tpu.dma_semaphore, #tpu.memory_space<semaphore_mem>>)
      %dma_wait3A = arith.constant 0 : i32
      %dma_wait3A_57 = tpu.memref_slice %arg3[%add3A, %dma_wait3A] : memref<32x5120xi32, #tpu.memory_space<hbm>> -> memref<1x5120xi32, #tpu.memory_space<hbm>>
      %dma_wait3A_58 = tpu.memref_squeeze %dma_wait3A_57 : memref<1x5120xi32, #tpu.memory_space<hbm>> -> memref<5120xi32, #tpu.memory_space<hbm>>
      %dma_wait3A_59 = arith.constant 0 : i32
      %dma_wait3A_60 = tpu.memref_slice %arg3[%add3A, %dma_wait3A_59] : memref<32x5120xi32, #tpu.memory_space<hbm>> -> memref<1x5120xi32, #tpu.memory_space<hbm>>
      %dma_wait3A_61 = tpu.memref_squeeze %dma_wait3A_60 : memref<1x5120xi32, #tpu.memory_space<hbm>> -> memref<5120xi32, #tpu.memory_space<hbm>>
      tpu.wait_dma2 semaphore(%run_scoped3A : memref<!tpu.dma_semaphore, #tpu.memory_space<semaphore_mem>>) src(%dma_wait3A_61 : memref<5120xi32, #tpu.memory_space<hbm>>) dst(%arg8 : memref<5120xi32, #tpu.memory_space<vmem>>)
      tpu.yield
    }) : () -> ()
    "tpu.region"() ({
      %run_scoped3A = tpu.sem_alloc : memref<!tpu.dma_semaphore, #tpu.memory_space<semaphore_mem>>
      tpu.enqueue_dma source(%arg4 : memref<40x128xi32, #tpu.memory_space<hbm>>) target(%arg9 : memref<40x128xi32, #tpu.memory_space<vmem>>) target_semaphore(%run_scoped3A : memref<!tpu.dma_semaphore, #tpu.memory_space<semaphore_mem>>)
      tpu.wait_dma2 semaphore(%run_scoped3A : memref<!tpu.dma_semaphore, #tpu.memory_space<semaphore_mem>>) src(%arg4 : memref<40x128xi32, #tpu.memory_space<hbm>>) dst(%arg9 : memref<40x128xi32, #tpu.memory_space<vmem>>)
      tpu.yield
    }) : () -> ()
    "tpu.region"() ({
      %run_scoped3A = tpu.sem_alloc : memref<!tpu.dma_semaphore, #tpu.memory_space<semaphore_mem>>
      tpu.enqueue_dma source(%arg5 : memref<40x128xi32, #tpu.memory_space<hbm>>) target(%arg10 : memref<40x128xi32, #tpu.memory_space<vmem>>) target_semaphore(%run_scoped3A : memref<!tpu.dma_semaphore, #tpu.memory_space<semaphore_mem>>)
      tpu.wait_dma2 semaphore(%run_scoped3A : memref<!tpu.dma_semaphore, #tpu.memory_space<semaphore_mem>>) src(%arg5 : memref<40x128xi32, #tpu.memory_space<hbm>>) dst(%arg10 : memref<40x128xi32, #tpu.memory_space<vmem>>)
      tpu.yield
    }) : () -> ()
    %scan3A = arith.constant 0 : i32
    %scan3A_3 = arith.constant 0 : i32
    %scan3A_4 = arith.constant 320 : i32
    %scan3A_5 = arith.addi %scan3A_3, %scan3A_4 : i32
    %scan3A_6 = arith.constant 1 : i32
    %scan3A_7 = scf.for %scan3A_52 = %scan3A_3 to %scan3A_5 step %scan3A_6 iter_args(%scan3A_53 = %scan3A) -> (i32)  : i32 {
      %mul3A_54 = arith.constant 16 : i32
      %mul3A_55 = arith.muli %scan3A_52, %mul3A_54 : i32
      %get3A = arith.index_cast %mul3A_55 : i32 to index
      %get3A_56 = tpu.vector_load %arg8[%get3A] {strides = array<i32>} : memref<5120xi32, #tpu.memory_space<vmem>>, vector<16xi32>,
      %lt3A = arith.constant 33554432 : i32
      %lt3A_57 = vector.broadcast %lt3A : i32 to vector<16xi32>
      %lt3A_58 = arith.cmpi slt, %get3A_56, %lt3A_57 : vector<16xi32>
      %convert_element_type3A = arith.extui %lt3A_58 : vector<16xi1> to vector<16xi32>
      %broadcast_in_dim3A = arith.constant true
      %broadcast_in_dim3A_59 = vector.broadcast %broadcast_in_dim3A : i1 to vector<16xi1>
      %masked_cumsum3A = tpu.scan <sum>, %convert_element_type3A masked %broadcast_in_dim3A_59 : vector<16xi32>, vector<16xi1> -> vector<16xi32>
      %add3A_60 = vector.broadcast %scan3A_53 : i32 to vector<16xi32>
      %add3A_61 = arith.addi %add3A_60, %masked_cumsum3A : vector<16xi32>
      %sub3A_62 = arith.constant 1 : i32
      %sub3A_63 = vector.broadcast %sub3A_62 : i32 to vector<16xi32>
      %sub3A_64 = arith.subi %add3A_61, %sub3A_63 : vector<16xi32>
      %shift_right_logical3A = arith.constant 7 : i32
      %shift_right_logical3A_65 = vector.broadcast %shift_right_logical3A : i32 to vector<16xi32>
      %shift_right_logical3A_66 = arith.shrui %sub3A_64, %shift_right_logical3A_65 : vector<16xi32>
      %and3A_67 = arith.constant 127 : i32
      %and3A_68 = vector.broadcast %and3A_67 : i32 to vector<16xi32>
      %and3A_69 = arith.andi %sub3A_64, %and3A_68 : vector<16xi32>
      %and3A_70 = arith.constant 16383 : i32
      %and3A_71 = vector.broadcast %and3A_70 : i32 to vector<16xi32>
      %and3A_72 = arith.andi %get3A_56, %and3A_71 : vector<16xi32>
      tpu.vector_store_idx %arg9[%shift_right_logical3A_66, %and3A_69], %and3A_72 masked %lt3A_58 : memref<40x128xi32, #tpu.memory_space<vmem>>[vector<16xi32>, vector<16xi32>], vector<16xi32>, vector<16xi1>
      %shift_right_logical3A_73 = arith.constant 14 : i32
      %shift_right_logical3A_74 = vector.broadcast %shift_right_logical3A_73 : i32 to vector<16xi32>
      %shift_right_logical3A_75 = arith.shrui %get3A_56, %shift_right_logical3A_74 : vector<16xi32>
      tpu.vector_store_idx %arg10[%shift_right_logical3A_66, %and3A_69], %shift_right_logical3A_75 masked %lt3A_58 : memref<40x128xi32, #tpu.memory_space<vmem>>[vector<16xi32>, vector<16xi32>], vector<16xi32>, vector<16xi1>
      %reduce_sum3A = arith.constant true
      %reduce_sum3A_76 = vector.broadcast %reduce_sum3A : i1 to vector<16xi1>
      %reduce_sum3A_77 = tpu.scan <sum>, %convert_element_type3A masked %reduce_sum3A_76 : vector<16xi32>, vector<16xi1> -> vector<16xi32>
      %reduce_sum3A_78 = vector.extract %reduce_sum3A_77[15] : i32 from vector<16xi32>
      %add3A_79 = arith.addi %scan3A_53, %reduce_sum3A_78 : i32
      scf.yield %add3A_79 : i32
    }
    %scan3A_8 = arith.constant 320 : i32
    %barrier3A = arith.constant 0 : index
    tpu.barrier barrier_id(%barrier3A)
    %add3A_9 = arith.constant 128 : i32
    %add3A_10 = arith.addi %scan3A_7, %add3A_9 : i32
    %sub3A = arith.constant 1 : i32
    %sub3A_11 = arith.subi %add3A_10, %sub3A : i32
    %jit3A = arith.constant 128 : i32
    %div3A = arith.divsi %sub3A_11, %jit3A : i32
    %sign3A = arith.constant 0 : i32
    %sign3A_12 = arith.cmpi sgt, %sub3A_11, %sign3A : i32
    %sign3A_13 = arith.extui %sign3A_12 : i1 to i32
    %sign3A_14 = arith.constant 0 : i32
    %sign3A_15 = arith.cmpi slt, %sub3A_11, %sign3A_14 : i32
    %sign3A_16 = arith.extui %sign3A_15 : i1 to i32
    %sign3A_17 = arith.subi %sign3A_13, %sign3A_16 : i32
    %sign3A_18 = arith.constant 0 : i32
    %sign3A_19 = arith.cmpi sgt, %jit3A, %sign3A_18 : i32
    %sign3A_20 = arith.extui %sign3A_19 : i1 to i32
    %sign3A_21 = arith.constant 0 : i32
    %sign3A_22 = arith.cmpi slt, %jit3A, %sign3A_21 : i32
    %sign3A_23 = arith.extui %sign3A_22 : i1 to i32
    %sign3A_24 = arith.subi %sign3A_20, %sign3A_23 : i32
    %ne3A = arith.cmpi ne, %sign3A_17, %sign3A_24 : i32
    %rem3A = arith.remsi %sub3A_11, %jit3A : i32
    %ne3A_25 = arith.constant 0 : i32
    %ne3A_26 = arith.cmpi ne, %rem3A, %ne3A_25 : i32
    %and3A = arith.andi %ne3A, %ne3A_26 : i1
    %sub3A_27 = arith.constant 1 : i32
    %sub3A_28 = arith.subi %div3A, %sub3A_27 : i32
    %select_n3A = arith.select %and3A, %sub3A_28, %div3A : i32
    %sub3A_29 = arith.constant 0 : i32
    %sub3A_30 = arith.subi %select_n3A, %sub3A_29 : i32
    %sub3A_31 = arith.constant 1 : i32
    %sub3A_32 = arith.constant 1 : i32
    %sub3A_33 = arith.subi %sub3A_31, %sub3A_32 : i32
    %add3A_34 = arith.addi %sub3A_30, %sub3A_33 : i32
    %div3A_35 = arith.constant 1 : i32
    %div3A_36 = arith.divsi %add3A_34, %div3A_35 : i32
    %while3A = arith.constant 1 : i32
    %while3A_37 = arith.constant 0 : i32
    %while3A_38 = arith.constant 0 : i32
    %while3A_39 = arith.subi %div3A_36, %while3A_38 : i32
    %while3A_40 = arith.addi %while3A_38, %while3A_39 : i32
    %while3A_41 = arith.constant 1 : i32
    %while3A_42 = arith.divsi %while3A_39, %while3A_41 : i32
    %while3A_43 = arith.muli %while3A_42, %while3A_41 : i32
    %while3A_44 = arith.addi %while3A_38, %while3A_43 : i32
    %while3A_45 = arith.constant 1 : i32
    scf.for %while3A_52 = %while3A_38 to %while3A_44 step %while3A_45  : i32 {
      %mul3A_53 = arith.muli %while3A_52, %while3A : i32
      %add3A_54 = arith.addi %while3A_37, %mul3A_53 : i32
      %run_scoped3A = arith.constant 0 : i32
      "tpu.region"() ({
        %run_scoped3A_56 = tpu.sem_alloc : memref<!tpu.dma_semaphore, #tpu.memory_space<semaphore_mem>>
        %dma_start3A = arith.constant 0 : i32
        %dma_start3A_57 = arith.constant 0 : i32
        %dma_start3A_58 = tpu.memref_slice %arg11[%run_scoped3A, %dma_start3A, %dma_start3A_57] : memref<4x128x160xbf16, #tpu.memory_space<vmem>> -> memref<1x128x160xbf16, #tpu.memory_space<vmem>>
        %dma_start3A_59 = tpu.memref_squeeze %dma_start3A_58 : memref<1x128x160xbf16, #tpu.memory_space<vmem>> -> memref<128x160xbf16, #tpu.memory_space<vmem>>
        %dma_start3A_60 = arith.constant 0 : i32
        %dma_start3A_61 = tpu.memref_slice %arg9[%add3A_54, %dma_start3A_60] : memref<40x128xi32, #tpu.memory_space<vmem>> -> memref<1x128xi32, #tpu.memory_space<vmem>>
        %dma_start3A_62 = tpu.memref_squeeze %dma_start3A_61 : memref<1x128xi32, #tpu.memory_space<vmem>> -> memref<128xi32, #tpu.memory_space<vmem>>
        %dma_start3A_63 = arith.constant 0 : i32
        %dma_start3A_64 = arith.constant 0 : i32
        %dma_start3A_65 = tpu.memref_slice %arg2[%dma_start3A_63, %dma_start3A_64] : memref<10000x160xbf16, #tpu.memory_space<hbm>> -> memref<10000x160xbf16, #tpu.memory_space<hbm>>
        tpu.enqueue_indirect_dma source(%dma_start3A_65 : memref<10000x160xbf16, #tpu.memory_space<hbm>>) target(%dma_start3A_59 : memref<128x160xbf16, #tpu.memory_space<vmem>>) offsets(%dma_start3A_62 : memref<128xi32, #tpu.memory_space<vmem>>) semaphore(%run_scoped3A_56 : memref<!tpu.dma_semaphore, #tpu.memory_space<semaphore_mem>>)
        %dma_wait3A = arith.constant 0 : i32
        %dma_wait3A_66 = arith.constant 0 : i32
        %dma_wait3A_67 = tpu.memref_slice %arg11[%run_scoped3A, %dma_wait3A, %dma_wait3A_66] : memref<4x128x160xbf16, #tpu.memory_space<vmem>> -> memref<1x128x160xbf16, #tpu.memory_space<vmem>>
        %dma_wait3A_68 = tpu.memref_squeeze %dma_wait3A_67 : memref<1x128x160xbf16, #tpu.memory_space<vmem>> -> memref<128x160xbf16, #tpu.memory_space<vmem>>
        %dma_wait3A_69 = arith.constant 0 : i32
        %dma_wait3A_70 = tpu.memref_slice %arg9[%add3A_54, %dma_wait3A_69] : memref<40x128xi32, #tpu.memory_space<vmem>> -> memref<1x128xi32, #tpu.memory_space<vmem>>
        %dma_wait3A_71 = tpu.memref_squeeze %dma_wait3A_70 : memref<1x128xi32, #tpu.memory_space<vmem>> -> memref<128xi32, #tpu.memory_space<vmem>>
        %dma_wait3A_72 = arith.constant 0 : i32
        %dma_wait3A_73 = arith.constant 0 : i32
        %dma_wait3A_74 = tpu.memref_slice %arg2[%dma_wait3A_72, %dma_wait3A_73] : memref<10000x160xbf16, #tpu.memory_space<hbm>> -> memref<10000x160xbf16, #tpu.memory_space<hbm>>
        tpu.wait_indirect_dma semaphore(%run_scoped3A_56 : memref<!tpu.dma_semaphore, #tpu.memory_space<semaphore_mem>>) src(%dma_wait3A_74 : memref<10000x160xbf16, #tpu.memory_space<hbm>>) dst(%dma_wait3A_68 : memref<128x160xbf16, #tpu.memory_space<vmem>>)
        tpu.yield
      }) : () -> ()
      %run_scoped3A_55 = arith.constant 0 : i32
      "tpu.region"() ({
        %run_scoped3A_56 = tpu.sem_alloc : memref<!tpu.dma_semaphore, #tpu.memory_space<semaphore_mem>>
        %dma_start3A = arith.constant 0 : i32
        %dma_start3A_57 = arith.constant 0 : i32
        %dma_start3A_58 = tpu.memref_slice %arg11[%run_scoped3A_55, %dma_start3A, %dma_start3A_57] : memref<4x128x160xbf16, #tpu.memory_space<vmem>> -> memref<1x128x160xbf16, #tpu.memory_space<vmem>>
        %dma_start3A_59 = tpu.memref_squeeze %dma_start3A_58 : memref<1x128x160xbf16, #tpu.memory_space<vmem>> -> memref<128x160xbf16, #tpu.memory_space<vmem>>
        %dma_start3A_60 = arith.constant 0 : i32
        %dma_start3A_61 = tpu.memref_slice %arg10[%add3A_54, %dma_start3A_60] : memref<40x128xi32, #tpu.memory_space<vmem>> -> memref<1x128xi32, #tpu.memory_space<vmem>>
        %dma_start3A_62 = tpu.memref_squeeze %dma_start3A_61 : memref<1x128xi32, #tpu.memory_space<vmem>> -> memref<128xi32, #tpu.memory_space<vmem>>
        %dma_start3A_63 = arith.constant 0 : i32
        %dma_start3A_64 = arith.constant 0 : i32
        %dma_start3A_65 = tpu.memref_slice %arg12[%dma_start3A_63, %dma_start3A_64] : memref<2176x160xbf16, #tpu.memory_space<vmem_shared>> -> memref<2176x160xbf16, #tpu.memory_space<vmem_shared>>
        tpu.enqueue_indirect_dma source(%dma_start3A_59 : memref<128x160xbf16, #tpu.memory_space<vmem>>) target(%dma_start3A_65 : memref<2176x160xbf16, #tpu.memory_space<vmem_shared>>) offsets(%dma_start3A_62 : memref<128xi32, #tpu.memory_space<vmem>>) semaphore(%run_scoped3A_56 : memref<!tpu.dma_semaphore, #tpu.memory_space<semaphore_mem>>) {add = true}
        %dma_wait3A = arith.constant 0 : i32
        %dma_wait3A_66 = arith.constant 0 : i32
        %dma_wait3A_67 = tpu.memref_slice %arg11[%run_scoped3A_55, %dma_wait3A, %dma_wait3A_66] : memref<4x128x160xbf16, #tpu.memory_space<vmem>> -> memref<1x128x160xbf16, #tpu.memory_space<vmem>>
        %dma_wait3A_68 = tpu.memref_squeeze %dma_wait3A_67 : memref<1x128x160xbf16, #tpu.memory_space<vmem>> -> memref<128x160xbf16, #tpu.memory_space<vmem>>
        %dma_wait3A_69 = arith.constant 0 : i32
        %dma_wait3A_70 = tpu.memref_slice %arg10[%add3A_54, %dma_wait3A_69] : memref<40x128xi32, #tpu.memory_space<vmem>> -> memref<1x128xi32, #tpu.memory_space<vmem>>
        %dma_wait3A_71 = tpu.memref_squeeze %dma_wait3A_70 : memref<1x128xi32, #tpu.memory_space<vmem>> -> memref<128xi32, #tpu.memory_space<vmem>>
        %dma_wait3A_72 = arith.constant 0 : i32
        %dma_wait3A_73 = arith.constant 0 : i32
        %dma_wait3A_74 = tpu.memref_slice %arg12[%dma_wait3A_72, %dma_wait3A_73] : memref<2176x160xbf16, #tpu.memory_space<vmem_shared>> -> memref<2176x160xbf16, #tpu.memory_space<vmem_shared>>
        tpu.wait_indirect_dma semaphore(%run_scoped3A_56 : memref<!tpu.dma_semaphore, #tpu.memory_space<semaphore_mem>>) src(%dma_wait3A_68 : memref<128x160xbf16, #tpu.memory_space<vmem>>) dst(%dma_wait3A_74 : memref<2176x160xbf16, #tpu.memory_space<vmem_shared>>)
        tpu.yield
      }) : () -> ()
    }
    %while3A_46 = arith.constant 1 : i32
    scf.for %while3A_52 = %while3A_44 to %while3A_40 step %while3A_46  : i32 {
      %mul3A_53 = arith.muli %while3A_52, %while3A : i32
      %add3A_54 = arith.addi %while3A_37, %mul3A_53 : i32
      %run_scoped3A = arith.constant 0 : i32
      "tpu.region"() ({
        %run_scoped3A_56 = tpu.sem_alloc : memref<!tpu.dma_semaphore, #tpu.memory_space<semaphore_mem>>
        %dma_start3A = arith.constant 0 : i32
        %dma_start3A_57 = arith.constant 0 : i32
        %dma_start3A_58 = tpu.memref_slice %arg11[%run_scoped3A, %dma_start3A, %dma_start3A_57] : memref<4x128x160xbf16, #tpu.memory_space<vmem>> -> memref<1x128x160xbf16, #tpu.memory_space<vmem>>
        %dma_start3A_59 = tpu.memref_squeeze %dma_start3A_58 : memref<1x128x160xbf16, #tpu.memory_space<vmem>> -> memref<128x160xbf16, #tpu.memory_space<vmem>>
        %dma_start3A_60 = arith.constant 0 : i32
        %dma_start3A_61 = tpu.memref_slice %arg9[%add3A_54, %dma_start3A_60] : memref<40x128xi32, #tpu.memory_space<vmem>> -> memref<1x128xi32, #tpu.memory_space<vmem>>
        %dma_start3A_62 = tpu.memref_squeeze %dma_start3A_61 : memref<1x128xi32, #tpu.memory_space<vmem>> -> memref<128xi32, #tpu.memory_space<vmem>>
        %dma_start3A_63 = arith.constant 0 : i32
        %dma_start3A_64 = arith.constant 0 : i32
        %dma_start3A_65 = tpu.memref_slice %arg2[%dma_start3A_63, %dma_start3A_64] : memref<10000x160xbf16, #tpu.memory_space<hbm>> -> memref<10000x160xbf16, #tpu.memory_space<hbm>>
        tpu.enqueue_indirect_dma source(%dma_start3A_65 : memref<10000x160xbf16, #tpu.memory_space<hbm>>) target(%dma_start3A_59 : memref<128x160xbf16, #tpu.memory_space<vmem>>) offsets(%dma_start3A_62 : memref<128xi32, #tpu.memory_space<vmem>>) semaphore(%run_scoped3A_56 : memref<!tpu.dma_semaphore, #tpu.memory_space<semaphore_mem>>)
        %dma_wait3A = arith.constant 0 : i32
        %dma_wait3A_66 = arith.constant 0 : i32
        %dma_wait3A_67 = tpu.memref_slice %arg11[%run_scoped3A, %dma_wait3A, %dma_wait3A_66] : memref<4x128x160xbf16, #tpu.memory_space<vmem>> -> memref<1x128x160xbf16, #tpu.memory_space<vmem>>
        %dma_wait3A_68 = tpu.memref_squeeze %dma_wait3A_67 : memref<1x128x160xbf16, #tpu.memory_space<vmem>> -> memref<128x160xbf16, #tpu.memory_space<vmem>>
        %dma_wait3A_69 = arith.constant 0 : i32
        %dma_wait3A_70 = tpu.memref_slice %arg9[%add3A_54, %dma_wait3A_69] : memref<40x128xi32, #tpu.memory_space<vmem>> -> memref<1x128xi32, #tpu.memory_space<vmem>>
        %dma_wait3A_71 = tpu.memref_squeeze %dma_wait3A_70 : memref<1x128xi32, #tpu.memory_space<vmem>> -> memref<128xi32, #tpu.memory_space<vmem>>
        %dma_wait3A_72 = arith.constant 0 : i32
        %dma_wait3A_73 = arith.constant 0 : i32
        %dma_wait3A_74 = tpu.memref_slice %arg2[%dma_wait3A_72, %dma_wait3A_73] : memref<10000x160xbf16, #tpu.memory_space<hbm>> -> memref<10000x160xbf16, #tpu.memory_space<hbm>>
        tpu.wait_indirect_dma semaphore(%run_scoped3A_56 : memref<!tpu.dma_semaphore, #tpu.memory_space<semaphore_mem>>) src(%dma_wait3A_74 : memref<10000x160xbf16, #tpu.memory_space<hbm>>) dst(%dma_wait3A_68 : memref<128x160xbf16, #tpu.memory_space<vmem>>)
        tpu.yield
      }) : () -> ()
      %run_scoped3A_55 = arith.constant 0 : i32
      "tpu.region"() ({
        %run_scoped3A_56 = tpu.sem_alloc : memref<!tpu.dma_semaphore, #tpu.memory_space<semaphore_mem>>
        %dma_start3A = arith.constant 0 : i32
        %dma_start3A_57 = arith.constant 0 : i32
        %dma_start3A_58 = tpu.memref_slice %arg11[%run_scoped3A_55, %dma_start3A, %dma_start3A_57] : memref<4x128x160xbf16, #tpu.memory_space<vmem>> -> memref<1x128x160xbf16, #tpu.memory_space<vmem>>
        %dma_start3A_59 = tpu.memref_squeeze %dma_start3A_58 : memref<1x128x160xbf16, #tpu.memory_space<vmem>> -> memref<128x160xbf16, #tpu.memory_space<vmem>>
        %dma_start3A_60 = arith.constant 0 : i32
        %dma_start3A_61 = tpu.memref_slice %arg10[%add3A_54, %dma_start3A_60] : memref<40x128xi32, #tpu.memory_space<vmem>> -> memref<1x128xi32, #tpu.memory_space<vmem>>
        %dma_start3A_62 = tpu.memref_squeeze %dma_start3A_61 : memref<1x128xi32, #tpu.memory_space<vmem>> -> memref<128xi32, #tpu.memory_space<vmem>>
        %dma_start3A_63 = arith.constant 0 : i32
        %dma_start3A_64 = arith.constant 0 : i32
        %dma_start3A_65 = tpu.memref_slice %arg12[%dma_start3A_63, %dma_start3A_64] : memref<2176x160xbf16, #tpu.memory_space<vmem_shared>> -> memref<2176x160xbf16, #tpu.memory_space<vmem_shared>>
        tpu.enqueue_indirect_dma source(%dma_start3A_59 : memref<128x160xbf16, #tpu.memory_space<vmem>>) target(%dma_start3A_65 : memref<2176x160xbf16, #tpu.memory_space<vmem_shared>>) offsets(%dma_start3A_62 : memref<128xi32, #tpu.memory_space<vmem>>) semaphore(%run_scoped3A_56 : memref<!tpu.dma_semaphore, #tpu.memory_space<semaphore_mem>>) {add = true}
        %dma_wait3A = arith.constant 0 : i32
        %dma_wait3A_66 = arith.constant 0 : i32
        %dma_wait3A_67 = tpu.memref_slice %arg11[%run_scoped3A_55, %dma_wait3A, %dma_wait3A_66] : memref<4x128x160xbf16, #tpu.memory_space<vmem>> -> memref<1x128x160xbf16, #tpu.memory_space<vmem>>
        %dma_wait3A_68 = tpu.memref_squeeze %dma_wait3A_67 : memref<1x128x160xbf16, #tpu.memory_space<vmem>> -> memref<128x160xbf16, #tpu.memory_space<vmem>>
        %dma_wait3A_69 = arith.constant 0 : i32
        %dma_wait3A_70 = tpu.memref_slice %arg10[%add3A_54, %dma_wait3A_69] : memref<40x128xi32, #tpu.memory_space<vmem>> -> memref<1x128xi32, #tpu.memory_space<vmem>>
        %dma_wait3A_71 = tpu.memref_squeeze %dma_wait3A_70 : memref<1x128xi32, #tpu.memory_space<vmem>> -> memref<128xi32, #tpu.memory_space<vmem>>
        %dma_wait3A_72 = arith.constant 0 : i32
        %dma_wait3A_73 = arith.constant 0 : i32
        %dma_wait3A_74 = tpu.memref_slice %arg12[%dma_wait3A_72, %dma_wait3A_73] : memref<2176x160xbf16, #tpu.memory_space<vmem_shared>> -> memref<2176x160xbf16, #tpu.memory_space<vmem_shared>>
        tpu.wait_indirect_dma semaphore(%run_scoped3A_56 : memref<!tpu.dma_semaphore, #tpu.memory_space<semaphore_mem>>) src(%dma_wait3A_68 : memref<128x160xbf16, #tpu.memory_space<vmem>>) dst(%dma_wait3A_74 : memref<2176x160xbf16, #tpu.memory_space<vmem_shared>>)
        tpu.yield
      }) : () -> ()
    }
    %barrier3A_47 = arith.constant 0 : index
    tpu.barrier barrier_id(%barrier3A_47)
    %mul3A_48 = arith.constant 128 : i32
    %mul3A_49 = arith.muli %arg1, %mul3A_48 : i32
    %mul3A_50 = arith.constant 128 : i32
    %mul3A_51 = arith.muli %arg1, %mul3A_50 : i32
    "tpu.region"() ({
      %run_scoped3A = tpu.sem_alloc : memref<!tpu.dma_semaphore, #tpu.memory_space<semaphore_mem>>
      %dma_start3A = arith.constant 0 : i32
      %dma_start3A_52 = tpu.memref_slice %arg7[%arg0, %mul3A_51, %dma_start3A] : memref<2x2048x160xbf16, #tpu.memory_space<hbm>> -> memref<1x128x160xbf16, #tpu.memory_space<hbm>>
      %dma_start3A_53 = tpu.memref_squeeze %dma_start3A_52 : memref<1x128x160xbf16, #tpu.memory_space<hbm>> -> memref<128x160xbf16, #tpu.memory_space<hbm>>
      %dma_start3A_54 = arith.constant 0 : i32
      %dma_start3A_55 = tpu.memref_slice %arg12[%mul3A_49, %dma_start3A_54] : memref<2176x160xbf16, #tpu.memory_space<vmem_shared>> -> memref<128x160xbf16, #tpu.memory_space<vmem_shared>>
      tpu.enqueue_dma source(%dma_start3A_55 : memref<128x160xbf16, #tpu.memory_space<vmem_shared>>) target(%dma_start3A_53 : memref<128x160xbf16, #tpu.memory_space<hbm>>) target_semaphore(%run_scoped3A : memref<!tpu.dma_semaphore, #tpu.memory_space<semaphore_mem>>)
      %dma_wait3A = arith.constant 0 : i32
      %dma_wait3A_56 = tpu.memref_slice %arg7[%arg0, %mul3A_51, %dma_wait3A] : memref<2x2048x160xbf16, #tpu.memory_space<hbm>> -> memref<1x128x160xbf16, #tpu.memory_space<hbm>>
      %dma_wait3A_57 = tpu.memref_squeeze %dma_wait3A_56 : memref<1x128x160xbf16, #tpu.memory_space<hbm>> -> memref<128x160xbf16, #tpu.memory_space<hbm>>
      %dma_wait3A_58 = arith.constant 0 : i32
      %dma_wait3A_59 = tpu.memref_slice %arg12[%mul3A_49, %dma_wait3A_58] : memref<2176x160xbf16, #tpu.memory_space<vmem_shared>> -> memref<128x160xbf16, #tpu.memory_space<vmem_shared>>
      tpu.wait_dma2 semaphore(%run_scoped3A : memref<!tpu.dma_semaphore, #tpu.memory_space<semaphore_mem>>) src(%dma_wait3A_59 : memref<128x160xbf16, #tpu.memory_space<vmem_shared>>) dst(%dma_wait3A_57 : memref<128x160xbf16, #tpu.memory_space<hbm>>)
      tpu.yield
    }) : () -> ()
    return
  }
}

module attributes {stable_mosaic.version = 14 : i64} {
  func.func @_a_body(%arg0: i32, %arg1: memref<1000x128xf32, #tpu.memory_space<vmem>>, %arg2: memref<128x160xf32, #tpu.memory_space<vmem>>, %arg3: memref<1x160xf32, #tpu.memory_space<vmem>>, %arg4: memref<1000x160xbf16, #tpu.memory_space<vmem>>) attributes {dimension_semantics = [#tpu.dimension_semantics<arbitrary>], iteration_bounds = array<i64: 10>, scalar_prefetch = 0 : i64, scratch_operands = 0 : i64, tpu.core_type = #tpu.core_type<tc>, window_params = [{transform_indices = @transform_0, window_bounds = array<i64: 1000, 128>}, {pipeline_mode = #tpu.pipeline_mode<synchronous>, transform_indices = @transform_1, window_bounds = array<i64: 128, 160>}, {pipeline_mode = #tpu.pipeline_mode<synchronous>, transform_indices = @transform_2, window_bounds = array<i64: 1, 160>}, {transform_indices = @transform_3, window_bounds = array<i64: 1000, 160>}]} {
    %get3A = arith.constant 0 : index
    %get3A_0 = arith.constant 0 : index
    %get3A_1 = vector.load %arg1[%get3A, %get3A_0] : memref<1000x128xf32, #tpu.memory_space<vmem>>, vector<1000x128xf32>
    %get3A_2 = arith.constant 0 : index
    %get3A_3 = arith.constant 0 : index
    %get3A_4 = vector.load %arg2[%get3A_2, %get3A_3] : memref<128x160xf32, #tpu.memory_space<vmem>>, vector<128x160xf32>
    %dot_general3A = arith.constant dense<0.000000e+00> : vector<1000x160xf32>
    %dot_general3A_5 = tpu.matmul %get3A_1, %get3A_4, %dot_general3A {dimension_numbers = #tpu.dot_dimension_numbers<[1], [0], [0], [1], [0, 0, 1, 1], [], []>, transpose_lhs_hint = false} : vector<1000x128xf32>, vector<128x160xf32>, vector<1000x160xf32> -> vector<1000x160xf32>
    %get3A_6 = arith.constant 0 : index
    %get3A_7 = arith.constant 0 : index
    %get3A_8 = vector.load %arg3[%get3A_6, %get3A_7] : memref<1x160xf32, #tpu.memory_space<vmem>>, vector<1x160xf32>
    %add3A = vector.broadcast %get3A_8 : vector<1x160xf32> to vector<1000x160xf32>
    %add3A_9 = arith.addf %dot_general3A_5, %add3A : vector<1000x160xf32>
    %convert_element_type3A = arith.truncf %add3A_9 : vector<1000x160xf32> to vector<1000x160xbf16>
    %swap3A = arith.constant 0 : index
    %swap3A_10 = arith.constant 0 : index
    %swap3A_11 = vector.load %arg4[%swap3A, %swap3A_10] : memref<1000x160xbf16, #tpu.memory_space<vmem>>, vector<1000x160xbf16>
    tpu.vector_store %arg4[%swap3A, %swap3A_10], %convert_element_type3A {strides = array<i32>} : memref<1000x160xbf16, #tpu.memory_space<vmem>>, vector<1000x160xbf16>,
    return
  }
  func.func @transform_0(%arg0: i32) -> (i32, i32) {
    %c0_i32 = arith.constant 0 : i32
    %c0_i32_0 = arith.constant 0 : i32
    return %arg0, %c0_i32 : i32, i32
  }
  func.func @transform_1(%arg0: i32) -> (i32, i32) {
    %c0_i32 = arith.constant 0 : i32
    %c0_i32_0 = arith.constant 0 : i32
    %c0_i32_1 = arith.constant 0 : i32
    return %c0_i32, %c0_i32_0 : i32, i32
  }
  func.func @transform_2(%arg0: i32) -> (i32, i32) {
    %c0_i32 = arith.constant 0 : i32
    %c0_i32_0 = arith.constant 0 : i32
    %c0_i32_1 = arith.constant 0 : i32
    return %c0_i32, %c0_i32_0 : i32, i32
  }
  func.func @transform_3(%arg0: i32) -> (i32, i32) {
    %c0_i32 = arith.constant 0 : i32
    %c0_i32_0 = arith.constant 0 : i32
    return %arg0, %c0_i32 : i32, i32
  }
}

module attributes {stable_mosaic.version = 14 : i64} {
  func.func @_c_body(%arg0: memref<2x2048x160xbf16, #tpu.memory_space<vmem>>, %arg1: memref<2048x128xf32, #tpu.memory_space<vmem>>, %arg2: memref<128x128xf32, #tpu.memory_space<vmem>>, %arg3: memref<1x128xf32, #tpu.memory_space<vmem>>, %arg4: memref<128x64xf32, #tpu.memory_space<vmem>>, %arg5: memref<1x64xf32, #tpu.memory_space<vmem>>, %arg6: memref<128x64xf32, #tpu.memory_space<vmem>>, %arg7: memref<1x64xf32, #tpu.memory_space<vmem>>, %arg8: memref<2048x64xbf16, #tpu.memory_space<vmem>>, %arg9: memref<2048x64xf32, #tpu.memory_space<vmem>>) attributes {dimension_semantics = [], scalar_prefetch = 0 : i64, scratch_operands = 0 : i64, tpu.core_type = #tpu.core_type<tc>} {
    %get3A = arith.constant 0 : index
    %get3A_0 = arith.constant 0 : index
    %get3A_1 = arith.constant 0 : index
    %get3A_2 = vector.load %arg0[%get3A, %get3A_0, %get3A_1] : memref<2x2048x160xbf16, #tpu.memory_space<vmem>>, vector<1x2048x160xbf16>
    %get3A_3 = vector.shape_cast %get3A_2 : vector<1x2048x160xbf16> to vector<2048x160xbf16>
    %convert_element_type3A = arith.extf %get3A_3 : vector<2048x160xbf16> to vector<2048x160xf32>
    %get3A_4 = arith.constant 1 : index
    %get3A_5 = arith.constant 0 : index
    %get3A_6 = arith.constant 0 : index
    %get3A_7 = vector.load %arg0[%get3A_4, %get3A_5, %get3A_6] : memref<2x2048x160xbf16, #tpu.memory_space<vmem>>, vector<1x2048x160xbf16>
    %get3A_8 = vector.shape_cast %get3A_7 : vector<1x2048x160xbf16> to vector<2048x160xbf16>
    %convert_element_type3A_9 = arith.extf %get3A_8 : vector<2048x160xbf16> to vector<2048x160xf32>
    %add3A = arith.addf %convert_element_type3A, %convert_element_type3A_9 : vector<2048x160xf32>
    %slice3A = vector.extract_strided_slice %add3A {offsets = [0, 128], sizes = [2048, 1], strides = [1, 1]} : vector<2048x160xf32> to vector<2048x1xf32>
    %max3A = arith.constant 1.000000e+00 : f32
    %max3A_10 = vector.broadcast %max3A : f32 to vector<2048x1xf32>
    %max3A_11 = arith.maximumf %slice3A, %max3A_10 : vector<2048x1xf32>
    %slice3A_12 = vector.extract_strided_slice %add3A {offsets = [0, 0], sizes = [2048, 128], strides = [1, 1]} : vector<2048x160xf32> to vector<2048x128xf32>
    %div3A = vector.broadcast %max3A_11 : vector<2048x1xf32> to vector<2048x128xf32>
    %div3A_13 = arith.divf %slice3A_12, %div3A : vector<2048x128xf32>
    %get3A_14 = arith.constant 0 : index
    %get3A_15 = arith.constant 0 : index
    %get3A_16 = vector.load %arg1[%get3A_14, %get3A_15] : memref<2048x128xf32, #tpu.memory_space<vmem>>, vector<2048x128xf32>
    %get3A_17 = arith.constant 0 : index
    %get3A_18 = arith.constant 0 : index
    %get3A_19 = vector.load %arg2[%get3A_17, %get3A_18] : memref<128x128xf32, #tpu.memory_space<vmem>>, vector<128x128xf32>
    %dot_general3A = arith.constant dense<0.000000e+00> : vector<2048x128xf32>
    %dot_general3A_20 = tpu.matmul %get3A_16, %get3A_19, %dot_general3A {dimension_numbers = #tpu.dot_dimension_numbers<[1], [0], [0], [1], [0, 0, 1, 1], [], []>, transpose_lhs_hint = false} : vector<2048x128xf32>, vector<128x128xf32>, vector<2048x128xf32> -> vector<2048x128xf32>
    %add3A_21 = arith.addf %div3A_13, %dot_general3A_20 : vector<2048x128xf32>
    %get3A_22 = arith.constant 0 : index
    %get3A_23 = arith.constant 0 : index
    %get3A_24 = vector.load %arg3[%get3A_22, %get3A_23] : memref<1x128xf32, #tpu.memory_space<vmem>>, vector<1x128xf32>
    %add3A_25 = vector.broadcast %get3A_24 : vector<1x128xf32> to vector<2048x128xf32>
    %add3A_26 = arith.addf %add3A_21, %add3A_25 : vector<2048x128xf32>
    %max3A_27 = arith.constant 0.000000e+00 : f32
    %max3A_28 = vector.broadcast %max3A_27 : f32 to vector<2048x128xf32>
    %max3A_29 = arith.maximumf %add3A_26, %max3A_28 : vector<2048x128xf32>
    %get3A_30 = arith.constant 0 : index
    %get3A_31 = arith.constant 0 : index
    %get3A_32 = vector.load %arg4[%get3A_30, %get3A_31] : memref<128x64xf32, #tpu.memory_space<vmem>>, vector<128x64xf32>
    %dot_general3A_33 = arith.constant dense<0.000000e+00> : vector<2048x64xf32>
    %dot_general3A_34 = tpu.matmul %max3A_29, %get3A_32, %dot_general3A_33 {dimension_numbers = #tpu.dot_dimension_numbers<[1], [0], [0], [1], [0, 0, 1, 1], [], []>, transpose_lhs_hint = false} : vector<2048x128xf32>, vector<128x64xf32>, vector<2048x64xf32> -> vector<2048x64xf32>
    %get3A_35 = arith.constant 0 : index
    %get3A_36 = arith.constant 0 : index
    %get3A_37 = vector.load %arg5[%get3A_35, %get3A_36] : memref<1x64xf32, #tpu.memory_space<vmem>>, vector<1x64xf32>
    %add3A_38 = vector.broadcast %get3A_37 : vector<1x64xf32> to vector<2048x64xf32>
    %add3A_39 = arith.addf %dot_general3A_34, %add3A_38 : vector<2048x64xf32>
    %convert_element_type3A_40 = arith.truncf %add3A_39 : vector<2048x64xf32> to vector<2048x64xbf16>
    %swap3A = arith.constant 0 : index
    %swap3A_41 = arith.constant 0 : index
    %swap3A_42 = vector.load %arg8[%swap3A, %swap3A_41] : memref<2048x64xbf16, #tpu.memory_space<vmem>>, vector<2048x64xbf16>
    tpu.vector_store %arg8[%swap3A, %swap3A_41], %convert_element_type3A_40 {strides = array<i32>} : memref<2048x64xbf16, #tpu.memory_space<vmem>>, vector<2048x64xbf16>,
    %get3A_43 = arith.constant 0 : index
    %get3A_44 = arith.constant 0 : index
    %get3A_45 = vector.load %arg6[%get3A_43, %get3A_44] : memref<128x64xf32, #tpu.memory_space<vmem>>, vector<128x64xf32>
    %dot_general3A_46 = arith.constant dense<0.000000e+00> : vector<2048x64xf32>
    %dot_general3A_47 = tpu.matmul %max3A_29, %get3A_45, %dot_general3A_46 {dimension_numbers = #tpu.dot_dimension_numbers<[1], [0], [0], [1], [0, 0, 1, 1], [], []>, transpose_lhs_hint = false} : vector<2048x128xf32>, vector<128x64xf32>, vector<2048x64xf32> -> vector<2048x64xf32>
    %get3A_48 = arith.constant 0 : index
    %get3A_49 = arith.constant 0 : index
    %get3A_50 = vector.load %arg7[%get3A_48, %get3A_49] : memref<1x64xf32, #tpu.memory_space<vmem>>, vector<1x64xf32>
    %add3A_51 = vector.broadcast %get3A_50 : vector<1x64xf32> to vector<2048x64xf32>
    %add3A_52 = arith.addf %dot_general3A_47, %add3A_51 : vector<2048x64xf32>
    %swap3A_53 = arith.constant 0 : index
    %swap3A_54 = arith.constant 0 : index
    %swap3A_55 = vector.load %arg9[%swap3A_53, %swap3A_54] : memref<2048x64xf32, #tpu.memory_space<vmem>>, vector<2048x64xf32>
    tpu.vector_store %arg9[%swap3A_53, %swap3A_54], %add3A_52 {strides = array<i32>} : memref<2048x64xf32, #tpu.memory_space<vmem>>, vector<2048x64xf32>,
    return
  }
}

module attributes {stable_mosaic.version = 14 : i64} {
  func.func @_e_body(%arg0: memref<2x2048x64xbf16, #tpu.memory_space<vmem>>, %arg1: memref<2048x64xf32, #tpu.memory_space<vmem>>, %arg2: memref<2048x47xf32, #tpu.memory_space<vmem>>) attributes {dimension_semantics = [], scalar_prefetch = 0 : i64, scratch_operands = 0 : i64, tpu.core_type = #tpu.core_type<tc>} {
    %get3A = arith.constant 0 : index
    %get3A_0 = arith.constant 0 : index
    %get3A_1 = arith.constant 0 : index
    %get3A_2 = vector.load %arg0[%get3A, %get3A_0, %get3A_1] : memref<2x2048x64xbf16, #tpu.memory_space<vmem>>, vector<1x2048x64xbf16>
    %get3A_3 = vector.shape_cast %get3A_2 : vector<1x2048x64xbf16> to vector<2048x64xbf16>
    %convert_element_type3A = arith.extf %get3A_3 : vector<2048x64xbf16> to vector<2048x64xf32>
    %get3A_4 = arith.constant 1 : index
    %get3A_5 = arith.constant 0 : index
    %get3A_6 = arith.constant 0 : index
    %get3A_7 = vector.load %arg0[%get3A_4, %get3A_5, %get3A_6] : memref<2x2048x64xbf16, #tpu.memory_space<vmem>>, vector<1x2048x64xbf16>
    %get3A_8 = vector.shape_cast %get3A_7 : vector<1x2048x64xbf16> to vector<2048x64xbf16>
    %convert_element_type3A_9 = arith.extf %get3A_8 : vector<2048x64xbf16> to vector<2048x64xf32>
    %add3A = arith.addf %convert_element_type3A, %convert_element_type3A_9 : vector<2048x64xf32>
    %slice3A = vector.extract_strided_slice %add3A {offsets = [0, 48], sizes = [2048, 1], strides = [1, 1]} : vector<2048x64xf32> to vector<2048x1xf32>
    %max3A = arith.constant 1.000000e+00 : f32
    %max3A_10 = vector.broadcast %max3A : f32 to vector<2048x1xf32>
    %max3A_11 = arith.maximumf %slice3A, %max3A_10 : vector<2048x1xf32>
    %div3A = vector.broadcast %max3A_11 : vector<2048x1xf32> to vector<2048x64xf32>
    %div3A_12 = arith.divf %add3A, %div3A : vector<2048x64xf32>
    %get3A_13 = arith.constant 0 : index
    %get3A_14 = arith.constant 0 : index
    %get3A_15 = vector.load %arg1[%get3A_13, %get3A_14] : memref<2048x64xf32, #tpu.memory_space<vmem>>, vector<2048x64xf32>
    %add3A_16 = arith.addf %div3A_12, %get3A_15 : vector<2048x64xf32>
    %iota3A = tpu.iota {dimensions = array<i32: 1>} : vector<2048x64xi32>
    %lt3A = arith.constant 47 : i32
    %lt3A_17 = vector.broadcast %lt3A : i32 to vector<2048x64xi32>
    %lt3A_18 = arith.cmpi slt, %iota3A, %lt3A_17 : vector<2048x64xi32>
    %jit3A = arith.constant -1.000000e+30 : f32
    %broadcast_in_dim3A = vector.broadcast %jit3A : f32 to vector<2048x64xf32>
    %select_n3A = arith.select %lt3A_18, %add3A_16, %broadcast_in_dim3A : vector<2048x64xi1>, vector<2048x64xf32>
    %reduce_max3A = arith.constant dense<0xFF800000> : vector<2048xf32>
    %reduce_max3A_19 = vector.multi_reduction <maximumf>, %select_n3A, %reduce_max3A [1] : vector<2048x64xf32> to vector<2048xf32>
    %broadcast_in_dim3A_20 = vector.shape_cast %reduce_max3A_19 : vector<2048xf32> to vector<2048x1xf32>
    %sub3A = vector.broadcast %broadcast_in_dim3A_20 : vector<2048x1xf32> to vector<2048x64xf32>
    %sub3A_21 = arith.subf %select_n3A, %sub3A : vector<2048x64xf32>
    %exp3A = math.exp %sub3A_21 : vector<2048x64xf32>
    %reduce_sum3A = arith.constant dense<0.000000e+00> : vector<2048xf32>
    %reduce_sum3A_22 = vector.multi_reduction <add>, %exp3A, %reduce_sum3A [1] : vector<2048x64xf32> to vector<2048xf32>
    %broadcast_in_dim3A_23 = vector.shape_cast %reduce_sum3A_22 : vector<2048xf32> to vector<2048x1xf32>
    %log3A = math.log %broadcast_in_dim3A_23 : vector<2048x1xf32>
    %add3A_24 = arith.addf %log3A, %broadcast_in_dim3A_20 : vector<2048x1xf32>
    %sub3A_25 = vector.broadcast %add3A_24 : vector<2048x1xf32> to vector<2048x64xf32>
    %sub3A_26 = arith.subf %select_n3A, %sub3A_25 : vector<2048x64xf32>
    %slice3A_27 = vector.extract_strided_slice %sub3A_26 {offsets = [0, 0], sizes = [2048, 47], strides = [1, 1]} : vector<2048x64xf32> to vector<2048x47xf32>
    %swap3A = arith.constant 0 : index
    %swap3A_28 = arith.constant 0 : index
    %swap3A_29 = vector.load %arg2[%swap3A, %swap3A_28] : memref<2048x47xf32, #tpu.memory_space<vmem>>, vector<2048x47xf32>
    tpu.vector_store %arg2[%swap3A, %swap3A_28], %slice3A_27 {strides = array<i32>} : memref<2048x47xf32, #tpu.memory_space<vmem>>, vector<2048x47xf32>,
    return
  }
}

</mosaic_0001>

<sc_bundles>
// kernel: kernel.10.cloned.1.call-start
scs
__scs_entry_jumppad:
0x0: {  	(pc) =	sbr.rel $0x88, $3  }
0x1: {  	(tag) =	ssettag $0x0;
	lr =	simm.s32 $0x1  }
0x2: {  	[smem:$0x3F98] =	sst lr;
	_ =	strace $0xD0000000  }
0x3: {  	_ = 	snop  }
0x4: {  	_ = 	snop  }
0x5: {  	_ = 	snop  }
0x6: {  	_ = 	snop  }
0x7: {  	_ = 	snop  }
__scs_overlays_trampoline_lowered:
0x8: {  	[smem:$0x3FA7] =	sst s0  }
0x9: {  	[smem:$0x3FA8] =	sst s1  }
0xa: {  	[smem:$0x3FA9] =	sst s2  }
0xb: {  	[smem:$0x3FAA] =	sst s3  }
0xc: {  	[smem:$0x3FAB] =	sst s4  }
0xd: {  	[smem:$0x3FAC] =	sst s5  }
0xe: {  	[smem:$0x3FAD] =	sst s6  }
0xf: {  	[smem:$0x3FAE] =	sst s7  }
0x10: {  	[smem:$0x3FAF] =	sst s8  }
0x11: {  	[smem:$0x3FB0] =	sst s9;
	s0 =	simm.s32 @!p0 $0x0  }
0x12: {  	s1 =	sld [smem:$0x3F96];
	s0 =	simm.s32 @p0 $0x1  }
0x13: {  	[smem:$0x3FB1] =	sst s0;
	s0 =	simm.s32 @!p1 $0x0  }
0x14: {  	s2 =	sld [smem:$0x3F95];
	s0 =	simm.s32 @p1 $0x1  }
0x15: {  	[smem:$0x3FB2] =	sst s0;
	s0 =	simm.s32 @!p2 $0x0  }
0x16: {  	s3 =	sld [smem:$0x3FDB];
	s0 =	simm.s32 @p2 $0x1  }
0x17: {  	s4 =	simm.s32 $0x1BF5;
	[smem:$0x3FB4] =	sst s0  }
0x18: {  	s0 =	sld [smem:$0x3F97];
	_ =	swait.ge [sflag:s4], $0x0  }
0x19: {  	s7 =	sld [smem:$0x3F98]  }
0x1a: {  	s8 =	sadd.s32 $0xFFFFE003, lr  }
0x1b: {  	s9 =	sadd.s32 $0xFFFFFEF7, lr;
	s5 =	simm.s32 $0xFFFFFFFF;
	p2 =	slt.u32 s8, $0xFFFFF086  }
0x1c: {  	p1 =	slt.u32 s9, $0xF7A;
	s5 =	simm.s32 @!p2 $0x0  }
0x1d: {  	s5 =	simm.s32 @p1 $0x1;
	p0 =	seq.s32 s7, s2  }
0x1e: {  	s7 =	smul.u32 @!p0 $0xF7A, s2;
	p2 =	seq.s32 @!p0 s5, $0x0  }
0x1f: {  	s9 =	smul.u32 $0xF7A, s1;
	s8 =	simm.s32 @!p0 $0x1BF5;
	p2 =	por !p2, p0  }
0x20: {  	[sflag:s8] =	ssyncset.s32 @!p0 $0xFFFFF086;
	s6 =	sadd.s32 @!p0 s3, s7;
	s7 =	simm.s32 @!p0 $0x108  }
0x21: {  	s3 =	sadd.s32 s3, s9;
	s6 =	sadd.s32 @!p0 $0x88, s6;
	s7 =	simm.s32 @p2 $0x1082  }
0x22: {  	[simem:s7], [sflag:s8] =	dma.local @!p0 [hbm:s6], $0xF7A  }
0x23: {  	s9 =	sor.u32 $0xD0000000, s2;
	s6 =	simm.s32 $0x108;
	_ =	swait.ge @!p0 [sflag:s8], $0x0  }
0x24: {  	s3 =	sadd.s32 $0x88, s3;
	s6 =	simm.s32 @!p1 $0x1082;
	[sflag:s4] =	ssyncset.s32 $0xFFFFF086  }
0x25: {  	[simem:s6], [sflag:s4] =	dma.local [hbm:s3], $0xF7A  }
0x26: {  	[smem:$0x3F98] =	sst s1;
	(tag) =	ssettag s2;
	_ =	strace s9  }
0x27: {  	s1 =	sld [smem:$0x3FA8]  }
0x28: {  	s2 =	sld [smem:$0x3FA9]  }
0x29: {  	s4 =	sld [smem:$0x3FAB]  }
0x2a: {  	p0 =	seq.s32 s5, $0x0;
	s5 =	sld [smem:$0x3FAC]  }
0x2b: {  	s6 =	sld [smem:$0x3FAD]  }
0x2c: {  	s7 =	sld [smem:$0x3FAE]  }
0x2d: {  	s3 =	simm.s32 $0x108;
	s8 =	sld [smem:$0x3FAF]  }
0x2e: {  	s3 =	simm.s32 @!p0 $0x1082;
	s9 =	sld [smem:$0x3FB0]  }
0x2f: {  	lr =	sadd.s32 s0, s3;
	s0 =	sld [smem:$0x3FA7]  }
0x30: {  	s3 =	sld [smem:$0x3FAA]  }
0x31: {  	[smem:$0x3FB3] =	sst s10  }
0x32: {  	s10 =	sld [smem:$0x3FB1];
	_ =	sdelay $0x3  }
0x33: {  	p0 =	seq.s32 s10, $0x1;
	s10 =	sld [smem:$0x3FB3];
	_ =	sdelay $0x3  }
0x34: {  	[smem:$0x3FB3] =	sst s10  }
0x35: {  	s10 =	sld [smem:$0x3FB2];
	_ =	sdelay $0x3  }
0x36: {  	p1 =	seq.s32 s10, $0x1;
	s10 =	sld [smem:$0x3FB3];
	_ =	sdelay $0x3  }
0x37: {  	[smem:$0x3FB3] =	sst s10  }
0x38: {  	s10 =	sld [smem:$0x3FB4]  }
0x39: {  	_ = 	snop;
	(pc) =	sbr.ind lr, $3  }
0x3a: {  	_ = 	snop  }
0x3b: {  	_ = 	snop  }
0x3c: {  	p2 =	seq.s32 s10, $0x1;
	s10 =	sld [smem:$0x3FB3]  }
0x3d: {  	_ =	shalt  }
0x3e: {  	_ =	shalt  }
0x3f: {  	_ =	shalt  }
0x40: {  	_ =	shalt  }
0x41: {  	_ =	shalt  }
0x42: {  	_ =	shalt  }
0x43: {  	_ =	shalt  }
0x44: {  	_ =	shalt  }
0x45: {  	_ =	shalt  }
0x46: {  	_ =	shalt  }
0x47: {  	_ =	shalt  }
0x48: {  	_ =	shalt  }
0x49: {  	_ =	shalt  }
0x4a: {  	_ =	shalt  }
0x4b: {  	_ =	shalt  }
0x4c: {  	_ =	shalt  }
0x4d: {  	_ =	shalt  }
0x4e: {  	_ =	shalt  }
0x4f: {  	_ =	shalt  }
0x50: {  	_ =	shalt  }
0x51: {  	_ =	shalt  }
0x52: {  	_ =	shalt  }
0x53: {  	_ =	shalt  }
0x54: {  	_ =	shalt  }
0x55: {  	_ =	shalt  }
0x56: {  	_ =	shalt  }
0x57: {  	_ =	shalt  }
0x58: {  	_ =	shalt  }
0x59: {  	_ =	shalt  }
0x5a: {  	_ =	shalt  }
0x5b: {  	_ =	shalt  }
0x5c: {  	_ =	shalt  }
0x5d: {  	_ =	shalt  }
0x5e: {  	_ =	shalt  }
0x5f: {  	_ =	shalt  }
0x60: {  	_ =	shalt  }
0x61: {  	_ =	shalt  }
0x62: {  	_ =	shalt  }
0x63: {  	_ =	shalt  }
0x64: {  	_ =	shalt  }
0x65: {  	_ =	shalt  }
0x66: {  	_ =	shalt  }
0x67: {  	_ =	shalt  }
0x68: {  	_ =	shalt  }
0x69: {  	_ =	shalt  }
0x6a: {  	_ =	shalt  }
0x6b: {  	_ =	shalt  }
0x6c: {  	_ =	shalt  }
0x6d: {  	_ =	shalt  }
0x6e: {  	_ =	shalt  }
0x6f: {  	_ =	shalt  }
0x70: {  	_ =	shalt  }
0x71: {  	_ =	shalt  }
0x72: {  	_ =	shalt  }
0x73: {  	_ =	shalt  }
0x74: {  	_ =	shalt  }
0x75: {  	_ =	shalt  }
0x76: {  	_ =	shalt  }
0x77: {  	_ =	shalt  }
0x78: {  	_ =	shalt  }
0x79: {  	_ =	shalt  }
0x7a: {  	_ =	shalt  }
0x7b: {  	_ =	shalt  }
0x7c: {  	_ =	shalt  }
0x7d: {  	_ =	shalt  }
0x7e: {  	_ =	shalt  }
0x7f: {  	_ =	shalt  }
0x80: {  	_ =	shalt  }
0x81: {  	_ =	shalt  }
0x82: {  	_ =	shalt  }
0x83: {  	_ =	shalt  }
0x84: {  	_ =	shalt  }
0x85: {  	_ =	shalt  }
0x86: {  	_ =	shalt  }
0x87: {  	_ =	shalt  }
.Lfunc_end0:
.L_simem_size_0:
called_computation.1_lowered:
.L_overlay_start_0:
0x88: {  	s2 =	sld [smem:$0x3FD9]  }
0x89: {  	s3 =	sld [smem:$0x3FFE];
	_ =	sdelay $0x1  }
0x8a: {  	s1 =	srdreg.scid  }
0x8b: {  	s0 =	sand.u32 $0x1, s1  }
0x8c: {  	s17 =	sshll.u32 s0, $0xA;
	s2 =	sadd.s32 s3, s2  }
0x8d: {  	s2 =	sadd.s32 s2, s17  }
0x8e: {  	[smem:$0x3FBF] =	sst s2  }
0x8f: {  	_ = 	snop  }
0x90: {  	s2 =	sld [smem:$0x3FD0];
	(tm) =	ssettm $0x1  }
0x91: {  	s18 =	sld [smem:$0x3FFB];
	_ =	sdelay $0x3  }
0x92: {  	_ =	strace s18  }
0x93: {  	s3 =	sld [smem:$0x3FFC];
	_ =	sdelay $0x3  }
0x94: {  	_ =	strace s3  }
0x95: {  	s3 =	sld [smem:$0x3FFD];
	_ =	sdelay $0x3  }
0x96: {  	_ =	strace s3  }
0x97: {  	_ =	strace $0x8FFFFFFF  }
0x98: {  	s19 =	sld [smem:$0x3FDB];
	_ =	sdelay $0x1  }
0x99: {  	s4 =	simm.s32 $_scs_section_size  }
0x9a: {  	s5 =	simm.s32 $_size__tile_overlayer_lowered;
	s6 =	simm.s32 $_tile_overlayer_lowered  }
0x9b: {  	s22 =	simm.s32 $0x1BFF;
	s21 =	sshll.u32 s6, $0x1;
	s3 =	sadd.s32 s4, s19  }
0x9c: {  	s7 =	simm.s32 $0x0;
	s20 =	sshll.u32 s5, $0x1;
	s5 =	sadd.s32 s21, s3  }
0x9d: {  	[timem:s7], [sflag:s22] =	dma.local [hbm:s5], s20  }
0x9e: {  	_ =	swait.ge [sflag:s22], s20  }
0x9f: {  	s4 =	ssub.s32 $0x0, s20;
	[sflag:s22] =	ssyncset.done $0x0  }
0xa0: {  	[sflag:s22] =	ssyncadd.s32 s4;
	_ =	sdelay $0x1  }
0xa1: {  	s23 =	simm.s32 $0x1B8B  }
0xa2: {  	_ =	swait.ge [sflag:s23], $0x1  }
0xa3: {  	[sflag:s23] =	ssyncset.done $0x0  }
0xa4: {  	s25 =	simm.s32 $0x1B8E;
	s24 =	sld [smem:$0x3FFE];
	[sflag:s23] =	ssyncadd.s32 $0xFFFFFFFF  }
0xa5: {  	s26 =	simm.s32 $execute0_lowered;
	[smem:$0x3FD2] =	sst s25  }
0xa6: {  	s5 =	sshll.u32 s26, $0x1;
	_ =	strace $0x80000049;
	[dreg:$0x1] =	wrdreg $0xFFFFFFFF  }
0xa7: {  	s28 =	simm.s32 $_size_execute0_lowered;
	s3 =	sadd.s32 s3, s5;
	[dreg:$0x0] =	wrdreg $0x0  }
0xa8: {  	s5 =	sshll.u32 s28, $0x1;
	[dreg:$0x2] =	wrdreg s3  }
0xa9: {  	[dreg:$0x3] =	wrdreg s5  }
0xaa: {  	[dreg:$0x4] =	wrdreg $0xC0  }
0xab: {  	_ =	task [dreg:s7], $0x5FFFF  }
0xac: {  	[dreg:$0x1] =	wrdreg $0xFFFFFFFF  }
0xad: {  	[dreg:$0x0] =	wrdreg $0x60  }
0xae: {  	[dreg:$0x2] =	wrdreg s2  }
0xaf: {  	[dreg:$0x3] =	wrdreg s24  }
0xb0: {  	[dreg:$0x4] =	wrdreg $0x48000  }
0xb1: {  	[dreg:$0x5] =	wrdreg $0x9  }
0xb2: {  	_ =	task.clear_ibuf [dreg:s7], $0x6FFFF;
	_ =	strace $0x90000049  }
0xb3: {  	s29 =	simm.s32 $0x9;
	_ =	strace $0x8000004B  }
0xb4: {  	_ =	swait.ge [sflag:s29], $0x1  }
0xb5: {  	[sflag:s29] =	ssyncadd.s32 $0xFFFFFFFF  }
0xb6: {  	_ =	strace $0x9000004B  }
0xb7: {  	_ =	sfence  }
0xb8: {  	s30 =	sld [smem:$0x0];
	_ =	sdelay $0x2  }
0xb9: {  	s31 =	sshll.u32 s1, $0xD;
	s1 =	sshrl.u32 s1, $0x2  }
0xba: {  	s3 =	sand.u32 $0x4000, s31;
	s1 =	sadd.s32 s1, s30  }
0xbb: {  	s0 =	sor.u32 s3, s0;
	s1 =	sshll.u32 s1, $0x11  }
0xbc: {  	s0 =	sor.u32 s1, s0  }
0xbd: {  	s0 =	sadd.s32 $0x8F2B, s0  }
0xbe: {  	[sflag:s0] =	ssyncadd.remote.s32 $0x1  }
0xbf: {  	_ =	sfence.sel $0xFFFF  }
0xc0: {  	[dreg:$0x0] =	wrdreg $0xFFFFFFFF;
	(pc) =	sbr.abs _section_cstart, $3  }
0xc1: {  	[dreg:$0x1] =	wrdreg $0xFFFFFFFF  }
0xc2: {  	_ =	task.clear_ibuf [dreg:s7], $0x2FFFF;
	_ =	strace $0x9FFFFFFF  }
0xc3: {  	(tm) =	ssettm $0x7FFFFFFF  }
tec
execute0_lowered:
.L_overlay_start_1:
0x0: {  	(tag) =	ssettag $0x1  }
0x1: {  	s4 =	rddreg [dreg:$0x0]  }
0x2: {  	s0 =	rddreg [dreg:$0x1]  }
0x3: {  	s2 =	rddreg [dreg:$0x2]  }
0x4: {  	s21 =	rddreg [dreg:$0x3];
	s18 =	simm.s32 $0x0;
	s1 =	srdreg.scid  }
0x5: {  	s8 =	stileid.u32;
	s30 =	simm.s32 $0x400;
	s13 =	simm.s32 $0x800  }
0x6: {  	s11 =	simm.s32 $0x1800;
	s23 =	simm.s32 $0x100;
	s9 =	simm.s32 $0x2800  }
0x7: {  	s24 =	simm.s32 $0x180;
	s25 =	simm.s32 $0x480;
	s26 =	simm.s32 $0x500  }
0x8: {  	s14 =	simm.s32 $0x6;
	s12 =	simm.s32 $0x7;
	s10 =	simm.s32 $0x8  }
0x9: {  	p0 =	por $0x0, $0x0;
	s29 =	simm.s32 $0x300;
	s31 =	simm.s32 $0x380  }
0xa: {  	s28 =	simm.s32 $0x600;
	[smem:$0x7FF] =	sst s18;
	s7 =	sadd.s32 $0x28800, s0  }
0xb: {  	s1 =	sand.u32 $0x1, s1;
	_ =	strace $0x8000004A;
	[dreg:$0x4] =	wrdreg s7  }
0xc: {  	s3 =	sshll.u32 s8, $0x8;
	s15 =	sshll.u32 s8, $0xD;
	[dreg:$0x8] =	wrdreg s23  }
0xd: {  	s19 =	sshll.u32 s8, $0x6;
	s8 =	simm.s32 $0x3800;
	[dreg:$0x9] =	wrdreg s24  }
0xe: {  	s5 =	sshll.u32 s1, $0x7;
	s6 =	sshll.u32 s1, $0x11;
	[dreg:$0xa] =	wrdreg s25  }
0xf: {  	s1 =	ssub.s32 $0x2, s1;
	s7 =	simm.s32 $0x80;
	[dreg:$0xb] =	wrdreg s26  }
0x10: {  	s25 =	simm.s32 $0x580;
	s26 =	simm.s32 $0x280;
	s24 =	simm.s32 $0x680  }
0x11: {  	s23 =	simm.s32 $0x700;
	s3 =	sor.u32 s5, s3;
	s6 =	sor.u32 s15, s6  }
0x12: {  	s16 =	sshrl.u32 s1, $0x1;
	s5 =	sshrl.u32 s15, $0x1;
	s15 =	simm.s32 $0x5  }
0x13: {  	s3 =	sadd.s32 s3, s0;
	s6 =	sshrl.u32 s6, $0x4;
	s1 =	ssub.s32 s1, s16  }
0x14: {  	s5 =	sadd.s32 s5, s2;
	s16 =	simm.s32 $0x4;
	s22 =	smax.u32 s1, $0x1  }
0x15: {  	s0 =	sadd.s32 s6, s0;
	s17 =	sadd.s32 $0x29A00, s3;
	p1 =	sne.s32 s22, $0x1  }
.Ltmp0:
0x16: {  	s20 =	sadd.s32 $0x28A00, s3;
	s1 =	rddreg [dreg:$0x4];
	(pc) =	sbr.rel @!p1 .LBB2_1-.Ltmp0, $4  }
0x17: {  	s3 =	sor.u32 $0x1C09, s19;
	s6 =	sshrl.u32 s5, $0x3;
	[dreg:$0x5] =	wrdreg s17  }
0x18: {  	s5 =	simm.s32 $0x9;
	s19 =	simm.s32 $0x2;
	[dreg:$0x6] =	wrdreg s20  }
0x19: {  	s0 =	sadd.s32 $0x200, s0;
	s20 =	simm.s32 $0x1;
	s17 =	simm.s32 $0x3  }
0x1a: {  	[dreg:$0x7] =	wrdreg s0;
	s0 =	sadd.s32 $0xFFFFFFFF, s22;
	s22 =	simm.s32 $0x780  }
0x1b: {  	[spmem:s6], [sflag:s3] =	dma.local [hbm:s1], $0x200  }
0x1c: {  	_ =	swait.ge [sflag:s5], $0x200  }
0x1d: {  	[sflag:s5] =	ssyncset.done $0x0  }
0x1e: {  	s21 =	rddreg [dreg:$0x5];
	[sflag:s5] =	ssyncadd.s32 $0xFFFFFE00  }
0x1f: {  	[tilespmem:s18], [sflag:$0x9] =	stream.linear.gather [hbm4b:s21+s18], $0x400, $0x38;
	[tilespmem:$0x5800] =	vst v63  }
0x20: {  	_ =	swait.ge [sflag:s5], $0x400  }
0x21: {  	[sflag:s5] =	ssyncset.done $0x0  }
0x22: {  	s21 =	rddreg [dreg:$0x6];
	[sflag:s5] =	ssyncadd.s32 $0xFFFFFC00  }
0x23: {  	[tilespmem:s30], [sflag:$0x9] =	stream.linear.gather [hbm4b:s21+s18], $0x400, $0x38;
	[tilespmem:$0x5800] =	vst v63  }
0x24: {  	_ =	swait.ge [sflag:s5], $0x400  }
0x25: {  	[sflag:s5] =	ssyncset.done $0x0  }
0x26: {  	[sflag:s5] =	ssyncadd.s32 $0xFFFFFC00  }
0x27: {  	[bflag:$0x0] =	sbarrier.arrive $0xFFFF  }
0x28: {  	[tilespmem:s13], [sflag:$0x1] =	stream.indirect.gather [hbm4b:s4+s7], $0x20, s18, s7, $0xb8;
	[tilespmem:$0x5800] =	vst v63  }
0x29: {  	_ = 	snop  }
0x2a: {  	[tilespmem:s11], [sflag:$0x2] =	stream.indirect.gather [hbm4b:s4+s7], $0x20, s7, s7, $0xb8;
	[tilespmem:$0x5800] =	vst v63  }
0x2b: {  	s1 =	rddreg [dreg:$0x8]  }
0x2c: {  	[tilespmem:s9], [sflag:$0x3] =	stream.indirect.gather [hbm4b:s4+s7], $0x20, s1, s7, $0xb8;
	[tilespmem:$0x5800] =	vst v63  }
0x2d: {  	s21 =	smov.u32 s0;
	s0 =	rddreg [dreg:$0x9]  }
0x2e: {  	[tilespmem:s8], [sflag:$0x4] =	stream.indirect.gather [hbm4b:s4+s7], $0x20, s0, s7, $0xb8;
	[tilespmem:$0x5800] =	vst v63  }
0x2f: {  	_ =	swait.ge [sflag:s20], $0x1000  }
0x30: {  	[sflag:s20] =	ssyncset.done $0x0  }
0x31: {  	[sflag:s20] =	ssyncadd.s32 $0xFFFFF000  }
0x32: {  	[spmem:s2] =	stream.indirect.scatter.add.bf16 [tilespmem:s13], [sflag:$0x5], $0x20, s30, s7, $0xb8;
	[tilespmem:$0x5800] =	vst v63  }
0x33: {  	_ =	swait.ge [sflag:s19], $0x1000  }
0x34: {  	[sflag:s19] =	ssyncset.done $0x0  }
0x35: {  	s1 =	rddreg [dreg:$0xa];
	[sflag:s19] =	ssyncadd.s32 $0xFFFFF000  }
0x36: {  	[spmem:s2] =	stream.indirect.scatter.add.bf16 [tilespmem:s11], [sflag:$0x6], $0x20, s1, s7, $0xb8;
	[tilespmem:$0x5800] =	vst v63  }
0x37: {  	_ =	swait.ge [sflag:s17], $0x1000  }
0x38: {  	[sflag:s17] =	ssyncset.done $0x0  }
0x39: {  	s1 =	rddreg [dreg:$0xb];
	[sflag:s17] =	ssyncadd.s32 $0xFFFFF000  }
0x3a: {  	[spmem:s2] =	stream.indirect.scatter.add.bf16 [tilespmem:s9], [sflag:$0x7], $0x20, s1, s7, $0xb8;
	[tilespmem:$0x5800] =	vst v63  }
0x3b: {  	_ =	swait.ge [sflag:s16], $0x1000  }
0x3c: {  	[sflag:s16] =	ssyncset.done $0x0  }
0x3d: {  	[sflag:s16] =	ssyncadd.s32 $0xFFFFF000  }
0x3e: {  	[spmem:s2] =	stream.indirect.scatter.add.bf16 [tilespmem:s8], [sflag:$0x8], $0x20, s25, s7, $0xb8;
	[tilespmem:$0x5800] =	vst v63  }
0x3f: {  	_ =	swait.ge [sflag:s15], $0x1000  }
0x40: {  	[sflag:s15] =	ssyncset.done $0x0  }
0x41: {  	[sflag:s15] =	ssyncadd.s32 $0xFFFFF000  }
0x42: {  	_ =	swait.ge [sflag:s14], $0x1000  }
0x43: {  	[sflag:s14] =	ssyncset.done $0x0  }
0x44: {  	[sflag:s14] =	ssyncadd.s32 $0xFFFFF000  }
0x45: {  	_ =	swait.ge [sflag:s12], $0x1000  }
0x46: {  	[sflag:s12] =	ssyncset.done $0x0  }
0x47: {  	[sflag:s12] =	ssyncadd.s32 $0xFFFFF000  }
0x48: {  	_ =	swait.ge [sflag:s10], $0x1000  }
0x49: {  	[sflag:s10] =	ssyncset.done $0x0  }
0x4a: {  	s1 =	simm.s32 $0x200;
	[sflag:s10] =	ssyncadd.s32 $0xFFFFF000  }
0x4b: {  	[tilespmem:s13], [sflag:$0x1] =	stream.indirect.gather [hbm4b:s4+s7], $0x20, s1, s7, $0xb8;
	[tilespmem:$0x5800] =	vst v63  }
0x4c: {  	_ = 	snop  }
0x4d: {  	[tilespmem:s11], [sflag:$0x2] =	stream.indirect.gather [hbm4b:s4+s7], $0x20, s26, s7, $0xb8;
	[tilespmem:$0x5800] =	vst v63  }
0x4e: {  	_ = 	snop  }
0x4f: {  	[tilespmem:s9], [sflag:$0x3] =	stream.indirect.gather [hbm4b:s4+s7], $0x20, s29, s7, $0xb8;
	[tilespmem:$0x5800] =	vst v63  }
0x50: {  	_ = 	snop  }
0x51: {  	[tilespmem:s8], [sflag:$0x4] =	stream.indirect.gather [hbm4b:s4+s7], $0x20, s31, s7, $0xb8;
	[tilespmem:$0x5800] =	vst v63  }
0x52: {  	_ =	swait.ge [sflag:s20], $0x1000  }
0x53: {  	[sflag:s20] =	ssyncset.done $0x0  }
0x54: {  	[sflag:s20] =	ssyncadd.s32 $0xFFFFF000  }
0x55: {  	[spmem:s2] =	stream.indirect.scatter.add.bf16 [tilespmem:s13], [sflag:$0x5], $0x20, s28, s7, $0xb8;
	[tilespmem:$0x5800] =	vst v63  }
0x56: {  	_ =	swait.ge [sflag:s19], $0x1000  }
0x57: {  	[sflag:s19] =	ssyncset.done $0x0  }
0x58: {  	[sflag:s19] =	ssyncadd.s32 $0xFFFFF000  }
0x59: {  	[spmem:s2] =	stream.indirect.scatter.add.bf16 [tilespmem:s11], [sflag:$0x6], $0x20, s24, s7, $0xb8;
	[tilespmem:$0x5800] =	vst v63  }
0x5a: {  	_ =	swait.ge [sflag:s17], $0x1000  }
0x5b: {  	[sflag:s17] =	ssyncset.done $0x0  }
0x5c: {  	[sflag:s17] =	ssyncadd.s32 $0xFFFFF000  }
0x5d: {  	[spmem:s2] =	stream.indirect.scatter.add.bf16 [tilespmem:s9], [sflag:$0x7], $0x20, s23, s7, $0xb8;
	[tilespmem:$0x5800] =	vst v63  }
0x5e: {  	_ =	swait.ge [sflag:s16], $0x1000  }
0x5f: {  	[sflag:s16] =	ssyncset.done $0x0  }
0x60: {  	[sflag:s16] =	ssyncadd.s32 $0xFFFFF000  }
0x61: {  	[spmem:s2] =	stream.indirect.scatter.add.bf16 [tilespmem:s8], [sflag:$0x8], $0x20, s22, s7, $0xb8;
	[tilespmem:$0x5800] =	vst v63  }
0x62: {  	_ =	swait.ge [sflag:s15], $0x1000  }
0x63: {  	[sflag:s15] =	ssyncset.done $0x0  }
0x64: {  	[sflag:s15] =	ssyncadd.s32 $0xFFFFF000  }
0x65: {  	_ =	swait.ge [sflag:s14], $0x1000  }
0x66: {  	[sflag:s14] =	ssyncset.done $0x0  }
0x67: {  	[sflag:s14] =	ssyncadd.s32 $0xFFFFF000  }
0x68: {  	_ =	swait.ge [sflag:s12], $0x1000  }
0x69: {  	[sflag:s12] =	ssyncset.done $0x0  }
0x6a: {  	[sflag:s12] =	ssyncadd.s32 $0xFFFFF000  }
0x6b: {  	_ =	swait.ge [sflag:s10], $0x1000  }
0x6c: {  	[sflag:s10] =	ssyncset.done $0x0  }
0x6d: {  	p1 =	sne.s32 s21, $0x1;
	[sflag:s10] =	ssyncadd.s32 $0xFFFFF000  }
.Ltmp1:
0x6e: {  	[bflag:$0x0] =	sbarrier.arrive $0xFFFF;
	(pc) =	sbr.rel @!p1 .LBB2_3-.Ltmp1, $4  }
0x6f: {  	s1 =	rddreg [dreg:$0x7]  }
0x70: {  	[hbm:s1], [sflag:s3] =	dma.local [spmem:s6], $0x200  }
0x71: {  	p0 =	por $0x1, $0x1;
	_ =	swait.ge [sflag:s5], $0x200  }
0x72: {  	s0 =	sadd.s32 $0xFFFFFFFF, s21;
	s1 =	rddreg [dreg:$0x4];
	[sflag:s5] =	ssyncset.done $0x0  }
.LBB2_4:
0x73: {  	[sflag:s5] =	ssyncadd.s32 $0xFFFFFE00  }
0x74: {  	[spmem:s6], [sflag:s3] =	dma.local [hbm:s1], $0x200  }
0x75: {  	_ =	swait.ge [sflag:s5], $0x200  }
0x76: {  	[sflag:s5] =	ssyncset.done $0x0  }
0x77: {  	s21 =	rddreg [dreg:$0x5];
	[sflag:s5] =	ssyncadd.s32 $0xFFFFFE00  }
0x78: {  	[tilespmem:s18], [sflag:$0x9] =	stream.linear.gather [hbm4b:s21+s18], $0x400, $0x38;
	[tilespmem:$0x5800] =	vst v63  }
0x79: {  	_ =	swait.ge [sflag:s5], $0x400  }
0x7a: {  	[sflag:s5] =	ssyncset.done $0x0  }
0x7b: {  	s21 =	rddreg [dreg:$0x6];
	[sflag:s5] =	ssyncadd.s32 $0xFFFFFC00  }
0x7c: {  	[tilespmem:s30], [sflag:$0x9] =	stream.linear.gather [hbm4b:s21+s18], $0x400, $0x38;
	[tilespmem:$0x5800] =	vst v63  }
0x7d: {  	_ =	swait.ge [sflag:s5], $0x400  }
0x7e: {  	[sflag:s5] =	ssyncset.done $0x0  }
0x7f: {  	[sflag:s5] =	ssyncadd.s32 $0xFFFFFC00  }
0x80: {  	[bflag:$0x0] =	sbarrier.arrive $0xFFFF  }
0x81: {  	[tilespmem:s13], [sflag:$0x1] =	stream.indirect.gather [hbm4b:s4+s7], $0x20, s18, s7, $0xb8;
	[tilespmem:$0x5800] =	vst v63  }
0x82: {  	_ = 	snop  }
0x83: {  	[tilespmem:s11], [sflag:$0x2] =	stream.indirect.gather [hbm4b:s4+s7], $0x20, s7, s7, $0xb8;
	[tilespmem:$0x5800] =	vst v63  }
0x84: {  	s1 =	rddreg [dreg:$0x8]  }
0x85: {  	[tilespmem:s9], [sflag:$0x3] =	stream.indirect.gather [hbm4b:s4+s7], $0x20, s1, s7, $0xb8;
	[tilespmem:$0x5800] =	vst v63  }
0x86: {  	s21 =	rddreg [dreg:$0x9]  }
0x87: {  	[tilespmem:s8], [sflag:$0x4] =	stream.indirect.gather [hbm4b:s4+s7], $0x20, s21, s7, $0xb8;
	[tilespmem:$0x5800] =	vst v63  }
0x88: {  	_ =	swait.ge [sflag:s20], $0x1000  }
0x89: {  	[sflag:s20] =	ssyncset.done $0x0  }
0x8a: {  	[sflag:s20] =	ssyncadd.s32 $0xFFFFF000  }
0x8b: {  	[spmem:s2] =	stream.indirect.scatter.add.bf16 [tilespmem:s13], [sflag:$0x5], $0x20, s30, s7, $0xb8;
	[tilespmem:$0x5800] =	vst v63  }
0x8c: {  	_ =	swait.ge [sflag:s19], $0x1000  }
0x8d: {  	[sflag:s19] =	ssyncset.done $0x0  }
0x8e: {  	s21 =	rddreg [dreg:$0xa];
	[sflag:s19] =	ssyncadd.s32 $0xFFFFF000  }
0x8f: {  	[spmem:s2] =	stream.indirect.scatter.add.bf16 [tilespmem:s11], [sflag:$0x6], $0x20, s21, s7, $0xb8;
	[tilespmem:$0x5800] =	vst v63  }
0x90: {  	_ =	swait.ge [sflag:s17], $0x1000  }
0x91: {  	[sflag:s17] =	ssyncset.done $0x0  }
0x92: {  	s21 =	rddreg [dreg:$0xb];
	[sflag:s17] =	ssyncadd.s32 $0xFFFFF000  }
0x93: {  	[spmem:s2] =	stream.indirect.scatter.add.bf16 [tilespmem:s9], [sflag:$0x7], $0x20, s21, s7, $0xb8;
	[tilespmem:$0x5800] =	vst v63  }
0x94: {  	_ =	swait.ge [sflag:s16], $0x1000  }
0x95: {  	[sflag:s16] =	ssyncset.done $0x0  }
0x96: {  	[sflag:s16] =	ssyncadd.s32 $0xFFFFF000  }
0x97: {  	[spmem:s2] =	stream.indirect.scatter.add.bf16 [tilespmem:s8], [sflag:$0x8], $0x20, s25, s7, $0xb8;
	[tilespmem:$0x5800] =	vst v63  }
0x98: {  	_ =	swait.ge [sflag:s15], $0x1000  }
0x99: {  	[sflag:s15] =	ssyncset.done $0x0  }
0x9a: {  	[sflag:s15] =	ssyncadd.s32 $0xFFFFF000  }
0x9b: {  	_ =	swait.ge [sflag:s14], $0x1000  }
0x9c: {  	[sflag:s14] =	ssyncset.done $0x0  }
0x9d: {  	[sflag:s14] =	ssyncadd.s32 $0xFFFFF000  }
0x9e: {  	_ =	swait.ge [sflag:s12], $0x1000  }
0x9f: {  	[sflag:s12] =	ssyncset.done $0x0  }
0xa0: {  	[sflag:s12] =	ssyncadd.s32 $0xFFFFF000  }
0xa1: {  	_ =	swait.ge [sflag:s10], $0x1000  }
0xa2: {  	[sflag:s10] =	ssyncset.done $0x0  }
0xa3: {  	s21 =	simm.s32 $0x200;
	[sflag:s10] =	ssyncadd.s32 $0xFFFFF000  }
0xa4: {  	[tilespmem:s13], [sflag:$0x1] =	stream.indirect.gather [hbm4b:s4+s7], $0x20, s21, s7, $0xb8;
	[tilespmem:$0x5800] =	vst v63  }
0xa5: {  	_ = 	snop  }
0xa6: {  	[tilespmem:s11], [sflag:$0x2] =	stream.indirect.gather [hbm4b:s4+s7], $0x20, s26, s7, $0xb8;
	[tilespmem:$0x5800] =	vst v63  }
0xa7: {  	_ = 	snop  }
0xa8: {  	[tilespmem:s9], [sflag:$0x3] =	stream.indirect.gather [hbm4b:s4+s7], $0x20, s29, s7, $0xb8;
	[tilespmem:$0x5800] =	vst v63  }
0xa9: {  	_ = 	snop  }
0xaa: {  	[tilespmem:s8], [sflag:$0x4] =	stream.indirect.gather [hbm4b:s4+s7], $0x20, s31, s7, $0xb8;
	[tilespmem:$0x5800] =	vst v63  }
0xab: {  	_ =	swait.ge [sflag:s20], $0x1000  }
0xac: {  	[sflag:s20] =	ssyncset.done $0x0  }
0xad: {  	[sflag:s20] =	ssyncadd.s32 $0xFFFFF000  }
0xae: {  	[spmem:s2] =	stream.indirect.scatter.add.bf16 [tilespmem:s13], [sflag:$0x5], $0x20, s28, s7, $0xb8;
	[tilespmem:$0x5800] =	vst v63  }
0xaf: {  	_ =	swait.ge [sflag:s19], $0x1000  }
0xb0: {  	[sflag:s19] =	ssyncset.done $0x0  }
0xb1: {  	[sflag:s19] =	ssyncadd.s32 $0xFFFFF000  }
0xb2: {  	[spmem:s2] =	stream.indirect.scatter.add.bf16 [tilespmem:s11], [sflag:$0x6], $0x20, s24, s7, $0xb8;
	[tilespmem:$0x5800] =	vst v63  }
0xb3: {  	_ =	swait.ge [sflag:s17], $0x1000  }
0xb4: {  	[sflag:s17] =	ssyncset.done $0x0  }
0xb5: {  	[sflag:s17] =	ssyncadd.s32 $0xFFFFF000  }
0xb6: {  	[spmem:s2] =	stream.indirect.scatter.add.bf16 [tilespmem:s9], [sflag:$0x7], $0x20, s23, s7, $0xb8;
	[tilespmem:$0x5800] =	vst v63  }
0xb7: {  	_ =	swait.ge [sflag:s16], $0x1000  }
0xb8: {  	[sflag:s16] =	ssyncset.done $0x0  }
0xb9: {  	[sflag:s16] =	ssyncadd.s32 $0xFFFFF000  }
0xba: {  	[spmem:s2] =	stream.indirect.scatter.add.bf16 [tilespmem:s8], [sflag:$0x8], $0x20, s22, s7, $0xb8;
	[tilespmem:$0x5800] =	vst v63  }
0xbb: {  	_ =	swait.ge [sflag:s15], $0x1000  }
0xbc: {  	[sflag:s15] =	ssyncset.done $0x0  }
0xbd: {  	[sflag:s15] =	ssyncadd.s32 $0xFFFFF000  }
0xbe: {  	_ =	swait.ge [sflag:s14], $0x1000  }
0xbf: {  	[sflag:s14] =	ssyncset.done $0x0  }
0xc0: {  	[sflag:s14] =	ssyncadd.s32 $0xFFFFF000  }
0xc1: {  	_ =	swait.ge [sflag:s12], $0x1000  }
0xc2: {  	[sflag:s12] =	ssyncset.done $0x0  }
0xc3: {  	[sflag:s12] =	ssyncadd.s32 $0xFFFFF000  }
0xc4: {  	_ =	swait.ge [sflag:s10], $0x1000  }
0xc5: {  	[sflag:s10] =	ssyncset.done $0x0  }
0xc6: {  	p1 =	sne.s32 s0, $0x1;
	[sflag:s10] =	ssyncadd.s32 $0xFFFFF000  }
.Ltmp2:
0xc7: {  	[bflag:$0x0] =	sbarrier.arrive $0xFFFF;
	(pc) =	sbr.rel @p1 .LBB2_4-.Ltmp2, $4  }
0xc8: {  	s21 =	rddreg [dreg:$0x7]  }
0xc9: {  	[hbm:s21], [sflag:s3] =	dma.local [spmem:s6], $0x200  }
0xca: {  	_ =	swait.ge [sflag:s5], $0x200  }
0xcb: {  	s0 =	sadd.s32 $0xFFFFFFFF, s0;
	s1 =	rddreg [dreg:$0x4];
	[sflag:s5] =	ssyncset.done $0x0  }
0xcc: {  	s22 =	simm.s32 $0x580;
	s31 =	simm.s32 $0x380;
	s29 =	simm.s32 $0x300  }
0xcd: {  	s28 =	simm.s32 $0x600;
	s26 =	simm.s32 $0x280;
	s25 =	simm.s32 $0x200  }
0xce: {  	s24 =	simm.s32 $0x680;
	s23 =	simm.s32 $0x700;
	s21 =	rddreg [dreg:$0x3]  }
.LBB2_6:
0xcf: {  	[sflag:s5] =	ssyncadd.s32 @p0 $0xFFFFFE00  }
0xd0: {  	[spmem:s6], [sflag:s3] =	dma.local [hbm:s1], $0x200  }
0xd1: {  	_ =	swait.ge [sflag:s5], $0x200  }
0xd2: {  	[sflag:s5] =	ssyncset.done $0x0  }
0xd3: {  	s0 =	rddreg [dreg:$0x5];
	[sflag:s5] =	ssyncadd.s32 $0xFFFFFE00  }
0xd4: {  	[tilespmem:s18], [sflag:$0x9] =	stream.linear.gather [hbm4b:s0+s18], $0x400, $0x38;
	[tilespmem:$0x5800] =	vst v63  }
0xd5: {  	_ =	swait.ge [sflag:s5], $0x400  }
0xd6: {  	[sflag:s5] =	ssyncset.done $0x0  }
0xd7: {  	s1 =	rddreg [dreg:$0x6];
	[sflag:s5] =	ssyncadd.s32 $0xFFFFFC00  }
0xd8: {  	[tilespmem:s30], [sflag:$0x9] =	stream.linear.gather [hbm4b:s1+s18], $0x400, $0x38;
	[tilespmem:$0x5800] =	vst v63  }
0xd9: {  	_ =	swait.ge [sflag:s5], $0x400  }
0xda: {  	[sflag:s5] =	ssyncset.done $0x0  }
0xdb: {  	[sflag:s5] =	ssyncadd.s32 $0xFFFFFC00  }
0xdc: {  	[bflag:$0x0] =	sbarrier.arrive $0xFFFF  }
0xdd: {  	[tilespmem:s13], [sflag:$0x1] =	stream.indirect.gather [hbm4b:s4+s7], $0x20, s18, s7, $0xb8;
	[tilespmem:$0x5800] =	vst v63  }
0xde: {  	_ = 	snop  }
0xdf: {  	[tilespmem:s11], [sflag:$0x2] =	stream.indirect.gather [hbm4b:s4+s7], $0x20, s7, s7, $0xb8;
	[tilespmem:$0x5800] =	vst v63  }
0xe0: {  	s1 =	rddreg [dreg:$0x8]  }
0xe1: {  	[tilespmem:s9], [sflag:$0x3] =	stream.indirect.gather [hbm4b:s4+s7], $0x20, s1, s7, $0xb8;
	[tilespmem:$0x5800] =	vst v63  }
0xe2: {  	s18 =	rddreg [dreg:$0x9]  }
0xe3: {  	[tilespmem:s8], [sflag:$0x4] =	stream.indirect.gather [hbm4b:s4+s7], $0x20, s18, s7, $0xb8;
	[tilespmem:$0x5800] =	vst v63  }
0xe4: {  	_ =	swait.ge [sflag:s20], $0x1000  }
0xe5: {  	[sflag:s20] =	ssyncset.done $0x0  }
0xe6: {  	[sflag:s20] =	ssyncadd.s32 $0xFFFFF000  }
0xe7: {  	[spmem:s2] =	stream.indirect.scatter.add.bf16 [tilespmem:s13], [sflag:$0x5], $0x20, s30, s7, $0xb8;
	[tilespmem:$0x5800] =	vst v63  }
0xe8: {  	_ =	swait.ge [sflag:s19], $0x1000  }
0xe9: {  	[sflag:s19] =	ssyncset.done $0x0  }
0xea: {  	s1 =	rddreg [dreg:$0xa];
	[sflag:s19] =	ssyncadd.s32 $0xFFFFF000  }
0xeb: {  	[spmem:s2] =	stream.indirect.scatter.add.bf16 [tilespmem:s11], [sflag:$0x6], $0x20, s1, s7, $0xb8;
	[tilespmem:$0x5800] =	vst v63  }
0xec: {  	_ =	swait.ge [sflag:s17], $0x1000  }
0xed: {  	[sflag:s17] =	ssyncset.done $0x0  }
0xee: {  	s18 =	rddreg [dreg:$0xb];
	[sflag:s17] =	ssyncadd.s32 $0xFFFFF000  }
0xef: {  	[spmem:s2] =	stream.indirect.scatter.add.bf16 [tilespmem:s9], [sflag:$0x7], $0x20, s18, s7, $0xb8;
	[tilespmem:$0x5800] =	vst v63  }
0xf0: {  	_ =	swait.ge [sflag:s16], $0x1000  }
0xf1: {  	[sflag:s16] =	ssyncset.done $0x0  }
0xf2: {  	[sflag:s16] =	ssyncadd.s32 $0xFFFFF000  }
0xf3: {  	[spmem:s2] =	stream.indirect.scatter.add.bf16 [tilespmem:s8], [sflag:$0x8], $0x20, s22, s7, $0xb8;
	[tilespmem:$0x5800] =	vst v63  }
0xf4: {  	_ =	swait.ge [sflag:s15], $0x1000  }
0xf5: {  	[sflag:s15] =	ssyncset.done $0x0  }
0xf6: {  	[sflag:s15] =	ssyncadd.s32 $0xFFFFF000  }
0xf7: {  	_ =	swait.ge [sflag:s14], $0x1000  }
0xf8: {  	[sflag:s14] =	ssyncset.done $0x0  }
0xf9: {  	[sflag:s14] =	ssyncadd.s32 $0xFFFFF000  }
0xfa: {  	_ =	swait.ge [sflag:s12], $0x1000  }
0xfb: {  	[sflag:s12] =	ssyncset.done $0x0  }
0xfc: {  	[sflag:s12] =	ssyncadd.s32 $0xFFFFF000  }
0xfd: {  	_ =	swait.ge [sflag:s10], $0x1000  }
0xfe: {  	[sflag:s10] =	ssyncset.done $0x0  }
0xff: {  	[sflag:s10] =	ssyncadd.s32 $0xFFFFF000  }
0x100: {  	[tilespmem:s13], [sflag:$0x1] =	stream.indirect.gather [hbm4b:s4+s7], $0x20, s25, s7, $0xb8;
	[tilespmem:$0x5800] =	vst v63  }
0x101: {  	_ = 	snop  }
0x102: {  	[tilespmem:s11], [sflag:$0x2] =	stream.indirect.gather [hbm4b:s4+s7], $0x20, s26, s7, $0xb8;
	[tilespmem:$0x5800] =	vst v63  }
0x103: {  	_ = 	snop  }
0x104: {  	[tilespmem:s9], [sflag:$0x3] =	stream.indirect.gather [hbm4b:s4+s7], $0x20, s29, s7, $0xb8;
	[tilespmem:$0x5800] =	vst v63  }
0x105: {  	_ = 	snop  }
0x106: {  	[tilespmem:s8], [sflag:$0x4] =	stream.indirect.gather [hbm4b:s4+s7], $0x20, s31, s7, $0xb8;
	[tilespmem:$0x5800] =	vst v63  }
0x107: {  	_ =	swait.ge [sflag:s20], $0x1000  }
0x108: {  	[sflag:s20] =	ssyncset.done $0x0  }
0x109: {  	[sflag:s20] =	ssyncadd.s32 $0xFFFFF000  }
0x10a: {  	[spmem:s2] =	stream.indirect.scatter.add.bf16 [tilespmem:s13], [sflag:$0x5], $0x20, s28, s7, $0xb8;
	[tilespmem:$0x5800] =	vst v63  }
0x10b: {  	_ =	swait.ge [sflag:s19], $0x1000  }
0x10c: {  	[sflag:s19] =	ssyncset.done $0x0  }
0x10d: {  	[sflag:s19] =	ssyncadd.s32 $0xFFFFF000  }
0x10e: {  	[spmem:s2] =	stream.indirect.scatter.add.bf16 [tilespmem:s11], [sflag:$0x6], $0x20, s24, s7, $0xb8;
	[tilespmem:$0x5800] =	vst v63  }
0x10f: {  	_ =	swait.ge [sflag:s17], $0x1000  }
0x110: {  	[sflag:s17] =	ssyncset.done $0x0  }
0x111: {  	[sflag:s17] =	ssyncadd.s32 $0xFFFFF000  }
0x112: {  	[spmem:s2] =	stream.indirect.scatter.add.bf16 [tilespmem:s9], [sflag:$0x7], $0x20, s23, s7, $0xb8;
	[tilespmem:$0x5800] =	vst v63  }
0x113: {  	_ =	swait.ge [sflag:s16], $0x1000  }
0x114: {  	[sflag:s16] =	ssyncset.done $0x0  }
0x115: {  	s29 =	simm.s32 $0x780;
	[sflag:s16] =	ssyncadd.s32 $0xFFFFF000  }
0x116: {  	[spmem:s2] =	stream.indirect.scatter.add.bf16 [tilespmem:s8], [sflag:$0x8], $0x20, s29, s7, $0xb8;
	[tilespmem:$0x5800] =	vst v63  }
0x117: {  	_ =	swait.ge [sflag:s15], $0x1000  }
0x118: {  	[sflag:s15] =	ssyncset.done $0x0  }
0x119: {  	[sflag:s15] =	ssyncadd.s32 $0xFFFFF000  }
0x11a: {  	_ =	swait.ge [sflag:s14], $0x1000  }
0x11b: {  	[sflag:s14] =	ssyncset.done $0x0  }
0x11c: {  	[sflag:s14] =	ssyncadd.s32 $0xFFFFF000  }
0x11d: {  	_ =	swait.ge [sflag:s12], $0x1000  }
0x11e: {  	[sflag:s12] =	ssyncset.done $0x0  }
0x11f: {  	[sflag:s12] =	ssyncadd.s32 $0xFFFFF000  }
0x120: {  	_ =	swait.ge [sflag:s10], $0x1000  }
0x121: {  	[sflag:s10] =	ssyncset.done $0x0  }
0x122: {  	[sflag:s10] =	ssyncadd.s32 $0xFFFFF000  }
0x123: {  	[bflag:$0x0] =	sbarrier.arrive $0xFFFF  }
0x124: {  	s30 =	rddreg [dreg:$0x7]  }
0x125: {  	[hbm:s30], [sflag:s3] =	dma.local [spmem:s6], $0x200  }
0x126: {  	_ =	swait.ge [sflag:s5], $0x200  }
0x127: {  	[sflag:s5] =	ssyncset.done $0x0  }
0x128: {  	[sflag:s5] =	ssyncadd.s32 $0xFFFFFE00  }
0x129: {  	_ =	sfence.sel $0x180000  }
0x12a: {  	s31 =	stileid.u32;
	[bflag:$0x0] =	sbarrier.arrive $0xFFFF  }
0x12b: {  	p0 =	sne.s32 s31, $0x0;
	_ =	strace $0x9000004A  }
0x12c: {  	s0 =	sadd.s32 @!p0 $0x100000, s21;
	[bflag:$0x2] =	sbarrier.arrive $0xFFFF  }
0x12d: {  	[sflag:s0] =	ssyncadd.tile.s32 @!p0 $0x1;
	_ =	shalt  }
.LBB2_1:
.Ltmp3:
0x12e: {  	(pc) =	sbr.rel .LBB2_6-.Ltmp3, $4  }
0x12f: {  	_ = 	snop  }
0x130: {  	s22 =	simm.s32 $0x580;
	s31 =	simm.s32 $0x380  }
0x131: {  	s29 =	simm.s32 $0x300;
	s28 =	simm.s32 $0x600;
	s26 =	simm.s32 $0x280  }
0x132: {  	s25 =	simm.s32 $0x200;
	s24 =	simm.s32 $0x680;
	s23 =	simm.s32 $0x700  }
.LBB2_3:
.Ltmp4:
0x133: {  	(pc) =	sbr.rel .LBB2_6-.Ltmp4, $4  }
0x134: {  	_ = 	snop  }
0x135: {  	s22 =	simm.s32 $0x580;
	s31 =	simm.s32 $0x380;
	s29 =	simm.s32 $0x300  }
0x136: {  	s28 =	simm.s32 $0x600;
	s26 =	simm.s32 $0x280;
	s25 =	simm.s32 $0x200  }
0x137: {  	s24 =	simm.s32 $0x680;
	s23 =	simm.s32 $0x700;
	s21 =	rddreg [dreg:$0x3]  }
.Lfunc_end2:
_tile_overlayer_lowered:
.L_overlay_start_2:
0x138: {  	(tag) =	ssettag $0x2  }
0x139: {  	s0 =	rddreg [dreg:$0x0];
	s2 =	stileid.u32  }
0x13a: {  	s1 =	rddreg [dreg:$0x1];
	p0 =	sne.s32 s2, $0x0  }
0x13b: {  	s3 =	rddreg [dreg:$0x2];
	[bflag:$0x3] =	sbarrier.arrive $0xFFFF;
	s2 =	simm.s32 @!p0 $0x1C09  }
0x13c: {  	[timem:s3], [sflag:s2] =	dma.local @!p0 [hbm:s0], s1  }
0x13d: {  	s0 =	simm.s32 @!p0 $0x9  }
0x13e: {  	_ =	swait.ge @!p0 [sflag:s0], s1  }
0x13f: {  	s1 =	ssub.s32 @!p0 $0x0, s1;
	[sflag:s0] =	ssyncset.done @!p0 $0x0  }
0x140: {  	[sflag:s0] =	ssyncadd.s32 @!p0 s1  }
0x141: {  	[bflag:$0x3] =	sbarrier.arrive $0xFFFF  }
0x142: {  	_ =	shalt  }

// kernel: kernel.7.cloned.1.call-start
scs
__scs_entry_jumppad:
0x0: {  	(pc) =	sbr.rel $0x88, $3  }
0x1: {  	(tag) =	ssettag $0x0;
	lr =	simm.s32 $0x1  }
0x2: {  	[smem:$0x3F98] =	sst lr;
	_ =	strace $0xD0000000  }
0x3: {  	_ = 	snop  }
0x4: {  	_ = 	snop  }
0x5: {  	_ = 	snop  }
0x6: {  	_ = 	snop  }
0x7: {  	_ = 	snop  }
__scs_overlays_trampoline_lowered:
0x8: {  	[smem:$0x3FA7] =	sst s0  }
0x9: {  	[smem:$0x3FA8] =	sst s1  }
0xa: {  	[smem:$0x3FA9] =	sst s2  }
0xb: {  	[smem:$0x3FAA] =	sst s3  }
0xc: {  	[smem:$0x3FAB] =	sst s4  }
0xd: {  	[smem:$0x3FAC] =	sst s5  }
0xe: {  	[smem:$0x3FAD] =	sst s6  }
0xf: {  	[smem:$0x3FAE] =	sst s7  }
0x10: {  	[smem:$0x3FAF] =	sst s8  }
0x11: {  	[smem:$0x3FB0] =	sst s9;
	s0 =	simm.s32 @!p0 $0x0  }
0x12: {  	s1 =	sld [smem:$0x3F96];
	s0 =	simm.s32 @p0 $0x1  }
0x13: {  	[smem:$0x3FB1] =	sst s0;
	s0 =	simm.s32 @!p1 $0x0  }
0x14: {  	s2 =	sld [smem:$0x3F95];
	s0 =	simm.s32 @p1 $0x1  }
0x15: {  	[smem:$0x3FB2] =	sst s0;
	s0 =	simm.s32 @!p2 $0x0  }
0x16: {  	s3 =	sld [smem:$0x3FDB];
	s0 =	simm.s32 @p2 $0x1  }
0x17: {  	s4 =	simm.s32 $0x1BF5;
	[smem:$0x3FB4] =	sst s0  }
0x18: {  	s0 =	sld [smem:$0x3F97];
	_ =	swait.ge [sflag:s4], $0x0  }
0x19: {  	s7 =	sld [smem:$0x3F98]  }
0x1a: {  	s8 =	sadd.s32 $0xFFFFE003, lr  }
0x1b: {  	s9 =	sadd.s32 $0xFFFFFEF7, lr;
	s5 =	simm.s32 $0xFFFFFFFF;
	p2 =	slt.u32 s8, $0xFFFFF086  }
0x1c: {  	p1 =	slt.u32 s9, $0xF7A;
	s5 =	simm.s32 @!p2 $0x0  }
0x1d: {  	s5 =	simm.s32 @p1 $0x1;
	p0 =	seq.s32 s7, s2  }
0x1e: {  	s7 =	smul.u32 @!p0 $0xF7A, s2;
	p2 =	seq.s32 @!p0 s5, $0x0  }
0x1f: {  	s9 =	smul.u32 $0xF7A, s1;
	s8 =	simm.s32 @!p0 $0x1BF5;
	p2 =	por !p2, p0  }
0x20: {  	[sflag:s8] =	ssyncset.s32 @!p0 $0xFFFFF086;
	s6 =	sadd.s32 @!p0 s3, s7;
	s7 =	simm.s32 @!p0 $0x108  }
0x21: {  	s3 =	sadd.s32 s3, s9;
	s6 =	sadd.s32 @!p0 $0x88, s6;
	s7 =	simm.s32 @p2 $0x1082  }
0x22: {  	[simem:s7], [sflag:s8] =	dma.local @!p0 [hbm:s6], $0xF7A  }
0x23: {  	s9 =	sor.u32 $0xD0000000, s2;
	s6 =	simm.s32 $0x108;
	_ =	swait.ge @!p0 [sflag:s8], $0x0  }
0x24: {  	s3 =	sadd.s32 $0x88, s3;
	s6 =	simm.s32 @!p1 $0x1082;
	[sflag:s4] =	ssyncset.s32 $0xFFFFF086  }
0x25: {  	[simem:s6], [sflag:s4] =	dma.local [hbm:s3], $0xF7A  }
0x26: {  	[smem:$0x3F98] =	sst s1;
	(tag) =	ssettag s2;
	_ =	strace s9  }
0x27: {  	s1 =	sld [smem:$0x3FA8]  }
0x28: {  	s2 =	sld [smem:$0x3FA9]  }
0x29: {  	s4 =	sld [smem:$0x3FAB]  }
0x2a: {  	p0 =	seq.s32 s5, $0x0;
	s5 =	sld [smem:$0x3FAC]  }
0x2b: {  	s6 =	sld [smem:$0x3FAD]  }
0x2c: {  	s7 =	sld [smem:$0x3FAE]  }
0x2d: {  	s3 =	simm.s32 $0x108;
	s8 =	sld [smem:$0x3FAF]  }
0x2e: {  	s3 =	simm.s32 @!p0 $0x1082;
	s9 =	sld [smem:$0x3FB0]  }
0x2f: {  	lr =	sadd.s32 s0, s3;
	s0 =	sld [smem:$0x3FA7]  }
0x30: {  	s3 =	sld [smem:$0x3FAA]  }
0x31: {  	[smem:$0x3FB3] =	sst s10  }
0x32: {  	s10 =	sld [smem:$0x3FB1];
	_ =	sdelay $0x3  }
0x33: {  	p0 =	seq.s32 s10, $0x1;
	s10 =	sld [smem:$0x3FB3];
	_ =	sdelay $0x3  }
0x34: {  	[smem:$0x3FB3] =	sst s10  }
0x35: {  	s10 =	sld [smem:$0x3FB2];
	_ =	sdelay $0x3  }
0x36: {  	p1 =	seq.s32 s10, $0x1;
	s10 =	sld [smem:$0x3FB3];
	_ =	sdelay $0x3  }
0x37: {  	[smem:$0x3FB3] =	sst s10  }
0x38: {  	s10 =	sld [smem:$0x3FB4]  }
0x39: {  	_ = 	snop;
	(pc) =	sbr.ind lr, $3  }
0x3a: {  	_ = 	snop  }
0x3b: {  	_ = 	snop  }
0x3c: {  	p2 =	seq.s32 s10, $0x1;
	s10 =	sld [smem:$0x3FB3]  }
0x3d: {  	_ =	shalt  }
0x3e: {  	_ =	shalt  }
0x3f: {  	_ =	shalt  }
0x40: {  	_ =	shalt  }
0x41: {  	_ =	shalt  }
0x42: {  	_ =	shalt  }
0x43: {  	_ =	shalt  }
0x44: {  	_ =	shalt  }
0x45: {  	_ =	shalt  }
0x46: {  	_ =	shalt  }
0x47: {  	_ =	shalt  }
0x48: {  	_ =	shalt  }
0x49: {  	_ =	shalt  }
0x4a: {  	_ =	shalt  }
0x4b: {  	_ =	shalt  }
0x4c: {  	_ =	shalt  }
0x4d: {  	_ =	shalt  }
0x4e: {  	_ =	shalt  }
0x4f: {  	_ =	shalt  }
0x50: {  	_ =	shalt  }
0x51: {  	_ =	shalt  }
0x52: {  	_ =	shalt  }
0x53: {  	_ =	shalt  }
0x54: {  	_ =	shalt  }
0x55: {  	_ =	shalt  }
0x56: {  	_ =	shalt  }
0x57: {  	_ =	shalt  }
0x58: {  	_ =	shalt  }
0x59: {  	_ =	shalt  }
0x5a: {  	_ =	shalt  }
0x5b: {  	_ =	shalt  }
0x5c: {  	_ =	shalt  }
0x5d: {  	_ =	shalt  }
0x5e: {  	_ =	shalt  }
0x5f: {  	_ =	shalt  }
0x60: {  	_ =	shalt  }
0x61: {  	_ =	shalt  }
0x62: {  	_ =	shalt  }
0x63: {  	_ =	shalt  }
0x64: {  	_ =	shalt  }
0x65: {  	_ =	shalt  }
0x66: {  	_ =	shalt  }
0x67: {  	_ =	shalt  }
0x68: {  	_ =	shalt  }
0x69: {  	_ =	shalt  }
0x6a: {  	_ =	shalt  }
0x6b: {  	_ =	shalt  }
0x6c: {  	_ =	shalt  }
0x6d: {  	_ =	shalt  }
0x6e: {  	_ =	shalt  }
0x6f: {  	_ =	shalt  }
0x70: {  	_ =	shalt  }
0x71: {  	_ =	shalt  }
0x72: {  	_ =	shalt  }
0x73: {  	_ =	shalt  }
0x74: {  	_ =	shalt  }
0x75: {  	_ =	shalt  }
0x76: {  	_ =	shalt  }
0x77: {  	_ =	shalt  }
0x78: {  	_ =	shalt  }
0x79: {  	_ =	shalt  }
0x7a: {  	_ =	shalt  }
0x7b: {  	_ =	shalt  }
0x7c: {  	_ =	shalt  }
0x7d: {  	_ =	shalt  }
0x7e: {  	_ =	shalt  }
0x7f: {  	_ =	shalt  }
0x80: {  	_ =	shalt  }
0x81: {  	_ =	shalt  }
0x82: {  	_ =	shalt  }
0x83: {  	_ =	shalt  }
0x84: {  	_ =	shalt  }
0x85: {  	_ =	shalt  }
0x86: {  	_ =	shalt  }
0x87: {  	_ =	shalt  }
.Lfunc_end0:
.L_simem_size_0:
called_computation_lowered:
.L_overlay_start_0:
0x88: {  	s2 =	sld [smem:$0x3FD9]  }
0x89: {  	s3 =	sld [smem:$0x3FFE];
	_ =	sdelay $0x1  }
0x8a: {  	s1 =	srdreg.scid  }
0x8b: {  	s0 =	sand.u32 $0x1, s1  }
0x8c: {  	s17 =	sshll.u32 s0, $0xA;
	s2 =	sadd.s32 s3, s2  }
0x8d: {  	s2 =	sadd.s32 s2, s17  }
0x8e: {  	[smem:$0x3FBF] =	sst s2  }
0x8f: {  	_ = 	snop  }
0x90: {  	s2 =	sld [smem:$0x3FD0];
	(tm) =	ssettm $0x1  }
0x91: {  	s18 =	sld [smem:$0x3FFB];
	_ =	sdelay $0x3  }
0x92: {  	_ =	strace s18  }
0x93: {  	s3 =	sld [smem:$0x3FFC];
	_ =	sdelay $0x3  }
0x94: {  	_ =	strace s3  }
0x95: {  	s3 =	sld [smem:$0x3FFD];
	_ =	sdelay $0x3  }
0x96: {  	_ =	strace s3  }
0x97: {  	_ =	strace $0x8FFFFFFF  }
0x98: {  	s19 =	sld [smem:$0x3FDB];
	_ =	sdelay $0x1  }
0x99: {  	s4 =	simm.s32 $_scs_section_size  }
0x9a: {  	s5 =	simm.s32 $_size__tile_overlayer_lowered;
	s6 =	simm.s32 $_tile_overlayer_lowered  }
0x9b: {  	s22 =	simm.s32 $0x1BFF;
	s21 =	sshll.u32 s6, $0x1;
	s3 =	sadd.s32 s4, s19  }
0x9c: {  	s7 =	simm.s32 $0x0;
	s20 =	sshll.u32 s5, $0x1;
	s5 =	sadd.s32 s21, s3  }
0x9d: {  	[timem:s7], [sflag:s22] =	dma.local [hbm:s5], s20  }
0x9e: {  	_ =	swait.ge [sflag:s22], s20  }
0x9f: {  	s4 =	ssub.s32 $0x0, s20;
	[sflag:s22] =	ssyncset.done $0x0  }
0xa0: {  	[sflag:s22] =	ssyncadd.s32 s4;
	_ =	sdelay $0x1  }
0xa1: {  	s23 =	simm.s32 $0x1B8B  }
0xa2: {  	_ =	swait.ge [sflag:s23], $0x1  }
0xa3: {  	[sflag:s23] =	ssyncset.done $0x0  }
0xa4: {  	s25 =	simm.s32 $0x1B8E;
	s24 =	sld [smem:$0x3FFE];
	[sflag:s23] =	ssyncadd.s32 $0xFFFFFFFF  }
0xa5: {  	s26 =	simm.s32 $execute0_lowered;
	[smem:$0x3FD2] =	sst s25  }
0xa6: {  	s5 =	sshll.u32 s26, $0x1;
	_ =	strace $0x80000046;
	[dreg:$0x1] =	wrdreg $0xFFFFFFFF  }
0xa7: {  	s28 =	simm.s32 $_size_execute0_lowered;
	s3 =	sadd.s32 s3, s5;
	[dreg:$0x0] =	wrdreg $0x0  }
0xa8: {  	s5 =	sshll.u32 s28, $0x1;
	[dreg:$0x2] =	wrdreg s3  }
0xa9: {  	[dreg:$0x3] =	wrdreg s5  }
0xaa: {  	[dreg:$0x4] =	wrdreg $0xC0  }
0xab: {  	_ =	task [dreg:s7], $0x5FFFF  }
0xac: {  	[dreg:$0x1] =	wrdreg $0xFFFFFFFF  }
0xad: {  	[dreg:$0x0] =	wrdreg $0x60  }
0xae: {  	[dreg:$0x2] =	wrdreg s24  }
0xaf: {  	[dreg:$0x3] =	wrdreg s2  }
0xb0: {  	[dreg:$0x4] =	wrdreg $0xDC000  }
0xb1: {  	[dreg:$0x5] =	wrdreg $0x9  }
0xb2: {  	_ =	task.clear_ibuf [dreg:s7], $0x6FFFF;
	_ =	strace $0x90000046  }
0xb3: {  	s29 =	simm.s32 $0x9;
	_ =	strace $0x80000048  }
0xb4: {  	_ =	swait.ge [sflag:s29], $0x1  }
0xb5: {  	[sflag:s29] =	ssyncadd.s32 $0xFFFFFFFF  }
0xb6: {  	_ =	strace $0x90000048  }
0xb7: {  	_ =	sfence  }
0xb8: {  	s30 =	sld [smem:$0x0];
	_ =	sdelay $0x2  }
0xb9: {  	s31 =	sshll.u32 s1, $0xD;
	s1 =	sshrl.u32 s1, $0x2  }
0xba: {  	s3 =	sand.u32 $0x4000, s31;
	s1 =	sadd.s32 s1, s30  }
0xbb: {  	s0 =	sor.u32 s3, s0;
	s1 =	sshll.u32 s1, $0x11  }
0xbc: {  	s0 =	sor.u32 s1, s0  }
0xbd: {  	s0 =	sadd.s32 $0x8F2B, s0  }
0xbe: {  	[sflag:s0] =	ssyncadd.remote.s32 $0x1  }
0xbf: {  	_ =	sfence.sel $0xFFFF  }
0xc0: {  	[dreg:$0x0] =	wrdreg $0xFFFFFFFF;
	(pc) =	sbr.abs _section_cstart, $3  }
0xc1: {  	[dreg:$0x1] =	wrdreg $0xFFFFFFFF  }
0xc2: {  	_ =	task.clear_ibuf [dreg:s7], $0x2FFFF;
	_ =	strace $0x9FFFFFFF  }
0xc3: {  	(tm) =	ssettm $0x7FFFFFFF  }
tec
execute0_lowered:
.L_overlay_start_1:
0x0: {  	(tag) =	ssettag $0x1  }
0x1: {  	s8 =	rddreg [dreg:$0x0]  }
0x2: {  	s1 =	srdreg.scid;
	s2 =	rddreg [dreg:$0x1]  }
0x3: {  	s0 =	stileid.u32;
	s3 =	rddreg [dreg:$0x2]  }
0x4: {  	s4 =	simm.s32 $0x0;
	s16 =	simm.s32 $0x80;
	s17 =	simm.s32 $0x3C00  }
0x5: {  	s19 =	simm.s32 $0x0;
	s7 =	sand.u32 $0x1, s1;
	s28 =	sshll.u32 s0, $0x1  }
0x6: {  	[smem:$0x7FF] =	sst s4;
	s10 =	smul.u32 $0x5000, s0;
	s5 =	sadd.s32 $0x800, s8  }
0x7: {  	s13 =	smul.u32 $0xAA00, s0;
	s31 =	sshll.u32 s0, $0x6;
	s1 =	sor.u32 s7, s28  }
0x8: {  	s9 =	smul.u32 $0x50000, s7;
	s12 =	ssub.s32 $0x2, s7;
	s7 =	sadd.s32 $0x400, s8  }
0x9: {  	s6 =	smul.u32 $0x280, s1;
	s1 =	rddreg [dreg:$0x3];
	_ =	strace $0x80000047  }
0xa: {  	s29 =	sshrl.u32 s12, $0x1;
	s30 =	sshrl.u32 s13, $0x2;
	s15 =	sshrl.u32 s10, $0x1  }
0xb: {  	s9 =	sadd.s32 s10, s9;
	s12 =	ssub.s32 s12, s29;
	s13 =	sadd.s32 s30, s3  }
.Ltmp0:
0xc: {  	s18 =	sadd.s32 s15, s3;
	s15 =	simm.s32 $0x2800;
	(pc) =	sbr.rel .LBB2_1-.Ltmp0, $4  }
0xd: {  	s11 =	sadd.s32 s6, s8;
	s6 =	sadd.s32 $0x1E000, s8;
	s9 =	sshrl.u32 s9, $0x4  }
0xe: {  	s18 =	sshrl.u32 s18, $0x3;
	s14 =	sadd.s32 s9, s8;
	s8 =	sor.u32 $0x1C01, s31  }
0xf: {  	s9 =	sadd.s32 $0x19000, s11;
	s11 =	smax.u32 s12, $0x1;
	s12 =	sshrl.u32 s13, $0x3  }
0x10: {  	v0 =	vimm.s32 $0x0;
	s13 =	simm.s32 $0x1;
	s10 =	sadd.s32 $0x1E400, s14;
	s14 =	simm.s32 $0x1400  }
.LBB2_6:
0x11: {  	[sflag:s13] =	ssyncadd.s32 $0xFFFFD800  }
.LBB2_7:
0x12: {  	s19 =	sadd.s32 $0x1, s19  }
0x13: {  	p0 =	sne.s32 s19, s11  }
.Ltmp1:
0x14: {  	[bflag:$0x0] =	sbarrier.arrive $0xFFFF;
	(pc) =	sbr.rel @!p0 .LBB2_8-.Ltmp1, $4  }
0x15: {  	[hbm:s10], [sflag:s8] =	dma.local [spmem:s18], $0x500  }
0x16: {  	_ =	swait.ge [sflag:s13], $0x500  }
0x17: {  	[sflag:s13] =	ssyncset.done $0x0  }
0x18: {  	[sflag:s13] =	ssyncadd.s32 $0xFFFFFB00  }
.LBB2_1:
0x19: {  	[spmem:s12], [sflag:s8] =	dma.local [hbm:s2], $0x550  }
0x1a: {  	_ =	swait.ge [sflag:s13], $0x550  }
0x1b: {  	[sflag:s13] =	ssyncset.done $0x0  }
0x1c: {  	[sflag:s13] =	ssyncadd.s32 $0xFFFFFAB0  }
0x1d: {  	[tilespmem:s4], [sflag:$0x1] =	stream.linear.gather [hbm4b:s9+s4], $0x1400, $0x38;
	[tilespmem:$0x10680] =	vst v63  }
0x1e: {  	_ =	swait.ge [sflag:s13], $0x1400  }
0x1f: {  	[sflag:s13] =	ssyncset.done $0x0  }
0x20: {  	[sflag:s13] =	ssyncadd.s32 $0xFFFFEC00  }
0x21: {  	[tilespmem:s14], [sflag:$0x1] =	stream.linear.gather [hbm4b:s6+s4], $0x1400, $0x38;
	[tilespmem:$0x10680] =	vst v63  }
0x22: {  	_ =	swait.ge [sflag:s13], $0x1400  }
0x23: {  	[sflag:s13] =	ssyncset.done $0x0  }
0x24: {  	[sflag:s13] =	ssyncadd.s32 $0xFFFFEC00  }
0x25: {  	[tilespmem:s15], [sflag:$0x1] =	stream.linear.gather [hbm4b:s7+s4], $0x1400, $0x38;
	[tilespmem:$0x10680] =	vst v63  }
0x26: {  	_ =	swait.ge [sflag:s13], $0x1400  }
0x27: {  	[sflag:s13] =	ssyncset.done $0x0  }
0x28: {  	s20 =	simm.s32 $0x0;
	[sflag:s13] =	ssyncadd.s32 $0xFFFFEC00  }
0x29: {  	v1 =	vld [tilespmem:s20+$0x0];
	_ =	sdelay $0x4  }
0x2a: {  	vm0 =	vlt.s32 v1, $0x2000000  }
0x2b: {  	v2 =	vsel vm0, $0x1, v0  }
0x2c: {  	(xrf0) =	vadd.scan.msk.s32 $0xffff, v2;
	_ =	sdelay $0x2  }
0x2d: {  	v2 =	vmov s4  }
0x2e: {  	v2 =	vadd.s32 $0xFFFFFFFF, v2  }
0x2f: {  	v2 =	vbroadcast v2, $0x0  }
0x30: {  	v3, _, _ =	vpop (xrf0)  }
0x31: {  	v2 =	vadd.s32 v3, v2;
	(v2sf) =	vpush v3, $0xF;
	_ =	sdelay $0x3  }
0x32: {  	v4 =	vand.u32 $0x3FFF, v1  }
0x33: {  	v1 =	vshrl.u32 v1, $0xE;
	[tilespmem:v2+s14+$0x0] =	vst.idx.msk vm0, v4  }
0x34: {  	s22 =	simm.s32 $0x10;
	s21 =	simm.s32 $0x80;
	s20 =	simm.s32 $0x0;
	[tilespmem:v2+s15+$0x0] =	vst.idx.msk vm0, v1  }
.LBB2_2:
0x35: {  	p0 =	sne.s32 s21, $0x4FC0;
	v1 =	vld [tilespmem:s22+$0x0];
	_ =	sdelay $0x4  }
0x36: {  	vm0 =	vlt.s32 v1, $0x2000000;
	v2 =	vand.u32 $0x3FFF, v1;
	v1 =	vshrl.u32 v1, $0xE  }
0x37: {  	v3 =	vsel vm0, $0x1, v0  }
0x38: {  	(xrf0) =	vadd.scan.msk.s32 $0xffff, v3  }
0x39: {  	s22 =	spop (v2sf)  }
0x3a: {  	s20 =	sadd.s32 s20, s22  }
0x3b: {  	v3 =	vmov s20  }
0x3c: {  	v3 =	vadd.s32 $0xFFFFFFFF, v3  }
0x3d: {  	v3 =	vbroadcast v3, $0x0  }
0x3e: {  	v4, _, _ =	vpop (xrf0)  }
0x3f: {  	v3 =	vadd.s32 v4, v3;
	(v2sf) =	vpush v4, $0xF;
	_ =	sdelay $0x1  }
.Ltmp2:
0x40: {  	(pc) =	sbr.rel @p0 .LBB2_2-.Ltmp2, $3  }
0x41: {  	_ =	sdelay $0x1  }
0x42: {  	[tilespmem:v3+s14+$0x0] =	vst.idx.msk vm0, v2  }
0x43: {  	s22 =	sshra.s32 s21, $0x2;
	s21 =	sadd.s32 $0x40, s21;
	[tilespmem:v3+s15+$0x0] =	vst.idx.msk vm0, v1  }
0x44: {  	v1 =	vld [tilespmem:s22+$0x0];
	_ =	sdelay $0x4  }
0x45: {  	vm0 =	vlt.s32 v1, $0x2000000  }
0x46: {  	v2 =	vsel vm0, $0x1, v0  }
0x47: {  	(xrf0) =	vadd.scan.msk.s32 $0xffff, v2;
	_ =	sdelay $0x5  }
0x48: {  	v2, _, _ =	vpop (xrf0)  }
0x49: {  	(v2sf) =	vpush v2, $0xF;
	_ =	sdelay $0xd  }
0x4a: {  	s21 =	spop (v2sf)  }
0x4b: {  	s20 =	sadd.s32 s20, s21;
	s29 =	spop (v2sf)  }
0x4c: {  	v3 =	vmov s20;
	s20 =	sadd.s32 s20, s29  }
0x4d: {  	s20 =	sadd.s32 $0x7F, s20  }
0x4e: {  	v3 =	vadd.s32 $0xFFFFFFFF, v3;
	s30 =	sand.u32 $0x7F, s20  }
0x4f: {  	v3 =	vbroadcast v3, $0x0;
	s31 =	sshra.s32 s20, $0x1F;
	p1 =	slt.s32 s20, $0x1;
	p0 =	sne.s32 s30, $0x0  }
0x50: {  	s21 =	sshrl.u32 s31, $0x19;
	p0 =	por !p1, !p0  }
0x51: {  	v2 =	vadd.s32 v2, v3;
	s20 =	sadd.s32 s21, s20;
	s21 =	simm.s32 $0x1;
	p0 =	por !p0, !p0  }
0x52: {  	s20 =	sshra.s32 s20, $0x7;
	s21 =	simm.s32 @!p0 $0x0  }
0x53: {  	s22 =	ssub.s32 s20, s21  }
0x54: {  	p0 =	slt.s32 s22, $0x1  }
.Ltmp3:
0x55: {  	v3 =	vand.u32 $0x3FFF, v1;
	(pc) =	sbr.rel @p0 .LBB2_7-.Ltmp3, $3  }
0x56: {  	v1 =	vshrl.u32 v1, $0xE;
	[tilespmem:v2+s14+$0x0] =	vst.idx.msk vm0, v3  }
0x57: {  	[tilespmem:v2+s15+$0x0] =	vst.idx.msk vm0, v1  }
0x58: {  	[bflag:$0x0] =	sbarrier.arrive $0xFFFF;
	_ =	sdelay $0x1  }
0x59: {  	s20 =	simm.s32 $0x1400  }
0x5a: {  	[tilespmem:s17], [sflag:$0x1] =	stream.indirect.gather [hbm4b:s5+s16], $0x50, s20, s16, $0xb8;
	[tilespmem:$0x10680] =	vst v63  }
0x5b: {  	p0 =	sne.s32 s22, $0x1;
	_ =	swait.ge [sflag:s13], $0x2800  }
.Ltmp4:
0x5c: {  	[sflag:s13] =	ssyncset.done $0x0;
	(pc) =	sbr.rel @!p0 .LBB2_6-.Ltmp4, $4  }
0x5d: {  	s21 =	simm.s32 $0x2800;
	[sflag:s13] =	ssyncadd.s32 $0xFFFFD800  }
0x5e: {  	[spmem:s3] =	stream.indirect.scatter.add.bf16 [tilespmem:s17], [sflag:$0x1], $0x50, s21, s16, $0xb8;
	[tilespmem:$0x10680] =	vst v63  }
0x5f: {  	_ =	swait.ge [sflag:s13], $0x2800  }
0x60: {  	s22 =	sadd.s32 $0xFFFFFFFF, s22;
	[sflag:s13] =	ssyncset.done $0x0  }
.LBB2_5:
0x61: {  	[sflag:s13] =	ssyncadd.s32 $0xFFFFD800;
	s20 =	sadd.s32 $0x80, s20;
	s21 =	sadd.s32 $0x80, s21  }
0x62: {  	[tilespmem:s17], [sflag:$0x1] =	stream.indirect.gather [hbm4b:s5+s16], $0x50, s20, s16, $0xb8;
	[tilespmem:$0x10680] =	vst v63  }
0x63: {  	p0 =	sne.s32 s22, $0x1;
	s22 =	sadd.s32 $0xFFFFFFFF, s22;
	_ =	swait.ge [sflag:s13], $0x2800  }
.Ltmp5:
0x64: {  	[sflag:s13] =	ssyncset.done $0x0;
	(pc) =	sbr.rel @p0 .LBB2_5-.Ltmp5, $4  }
0x65: {  	[sflag:s13] =	ssyncadd.s32 $0xFFFFD800  }
0x66: {  	[spmem:s3] =	stream.indirect.scatter.add.bf16 [tilespmem:s17], [sflag:$0x1], $0x50, s21, s16, $0xb8;
	[tilespmem:$0x10680] =	vst v63  }
0x67: {  	_ =	swait.ge [sflag:s13], $0x2800  }
0x68: {  	[sflag:s13] =	ssyncset.done $0x0  }
.Ltmp6:
0x69: {  	_ = 	snop;
	(pc) =	sbr.rel .LBB2_6-.Ltmp6, $1  }
0x6a: {  	_ =	sdelay $0x3  }
.LBB2_8:
0x6b: {  	_ =	sfence.sel $0x180000  }
0x6c: {  	[bflag:$0x0] =	sbarrier.arrive $0xFFFF  }
0x6d: {  	p0 =	sne.s32 s0, $0x0;
	_ =	strace $0x90000047  }
0x6e: {  	s0 =	sadd.s32 @!p0 $0x100000, s1;
	[bflag:$0x2] =	sbarrier.arrive $0xFFFF  }
0x6f: {  	[sflag:s0] =	ssyncadd.tile.s32 @!p0 $0x1;
	_ =	shalt  }
.Lfunc_end2:
_tile_overlayer_lowered:
.L_overlay_start_2:
0x70: {  	(tag) =	ssettag $0x2  }
0x71: {  	s0 =	rddreg [dreg:$0x0];
	s2 =	stileid.u32  }
0x72: {  	s1 =	rddreg [dreg:$0x1];
	p0 =	sne.s32 s2, $0x0  }
0x73: {  	s3 =	rddreg [dreg:$0x2];
	[bflag:$0x3] =	sbarrier.arrive $0xFFFF;
	s2 =	simm.s32 @!p0 $0x1C01  }
0x74: {  	[timem:s3], [sflag:s2] =	dma.local @!p0 [hbm:s0], s1  }
0x75: {  	s0 =	simm.s32 @!p0 $0x1  }
0x76: {  	_ =	swait.ge @!p0 [sflag:s0], s1  }
0x77: {  	s1 =	ssub.s32 @!p0 $0x0, s1;
	[sflag:s0] =	ssyncset.done @!p0 $0x0  }
0x78: {  	[sflag:s0] =	ssyncadd.s32 @!p0 s1  }
0x79: {  	[bflag:$0x3] =	sbarrier.arrive $0xFFFF  }
0x7a: {  	_ =	shalt  }

</sc_bundles>
